<compile_context>
chip_gen: v7x
topology: tpu7x:2x2x1
jax: 0.10.2.dev20260603
libtpu: 0.0.44.dev20260713+nightly
codegen_flags: <defaults>
</compile_context>

<pallas_src>
import functools

import jax
import jax.numpy as jnp
from jax import lax
from jax.experimental import pallas as pl
from jax.experimental.pallas import tpu as pltpu
from jax.experimental.pallas import tpu_sc as plsc

_DIM = 256
_K = 8192
_EPS = 1e-05
_NB = 768
_CHUNK = 2736
_NEG_INF = float("-inf")


def _vq_tc_body(a_ref, eb_ref, xx_ref, ee_ref, csize_ref,
                idx_ref, loss_ref, perp_ref):
    i = pl.program_id(0)

    @pl.when(i == 0)
    def _init():
        p = csize_ref[...]
        perp_ref[0, 0] = jnp.exp(-jnp.sum(p * jnp.log(p + _EPS)))
        loss_ref[0, 0] = 0.0

    xe2t = lax.dot_general(eb_ref[...], a_ref[...], (((1,), (1,)), ((), ())),
                           preferred_element_type=jnp.float32)
    dist_t = (xe2t - xx_ref[0, 0, :][None, :]) - ee_ref[...]

    riota = lax.broadcasted_iota(jnp.int32, (128, _NB), 0)
    ninf = jnp.full((128, _NB), _NEG_INF, jnp.float32)

    n_ch = (_K + _CHUNK - 1) // _CHUNK
    m = [ninf for _ in range(n_ch)]
    ix = [jnp.zeros((128, _NB), jnp.int32) for _ in range(n_ch)]
    for c in range(_K // 128):
        t = dist_t[c * 128:(c + 1) * 128, :]
        code = riota + (c * 128)
        lo, hi = c * 128, (c + 1) * 128
        for ch in range(n_ch):
            s, e = ch * _CHUNK, min((ch + 1) * _CHUNK, _K)
            if hi <= s or lo >= e:
                continue
            if s <= lo and hi <= e:
                tc = t
            else:
                tc = jnp.where((code >= s) & (code < e), t, ninf)
            take = tc > m[ch]
            m[ch] = jnp.where(take, tc, m[ch])
            ix[ch] = jnp.where(take, code, ix[ch])

    for ch in range(n_ch):
        mv, iv = m[ch], ix[ch]
        s = 64
        while s >= 1:
            a_v, b_v = mv[:s, :], mv[s:2 * s, :]
            a_i, b_i = iv[:s, :], iv[s:2 * s, :]
            take_b = (b_v > a_v) | ((b_v == a_v) & (b_i < a_i))
            mv = jnp.where(take_b, b_v, a_v)
            iv = jnp.where(take_b, b_i, a_i)
            s //= 2
        m[ch], ix[ch] = mv, iv

    run = m[0].astype(jnp.bfloat16).astype(jnp.float32)
    idx = ix[0]
    for ch in range(1, n_ch):
        take = m[ch] > run
        idx = jnp.where(take, ix[ch], idx)
        run = jnp.where(take, m[ch], run)
        run = run.astype(jnp.bfloat16).astype(jnp.float32)

    idx_ref[0, 0, :] = idx[0, :]
    loss_ref[0, 0] += -jnp.sum(run)


def _vq_distances(a_bf16, embed_bf16, xx3, ee2, csize2d):
    nsteps = a_bf16.shape[0] // _NB
    idx3, loss, perp = pl.pallas_call(
        _vq_tc_body,
        grid=(nsteps,),
        in_specs=[
            pl.BlockSpec((_NB, _DIM), lambda i: (i, 0)),
            pl.BlockSpec((_K, _DIM), lambda i: (0, 0)),
            pl.BlockSpec((1, 1, _NB), lambda i: (i, 0, 0)),
            pl.BlockSpec((_K, 1), lambda i: (0, 0)),
            pl.BlockSpec(csize2d.shape, lambda i: (0, 0)),
        ],
        out_specs=[
            pl.BlockSpec((1, 1, _NB), lambda i: (i, 0, 0)),
            pl.BlockSpec(memory_space=pltpu.SMEM),
            pl.BlockSpec(memory_space=pltpu.SMEM),
        ],
        out_shape=[
            jax.ShapeDtypeStruct((nsteps, 1, _NB), jnp.int32),
            jax.ShapeDtypeStruct((1, 1), jnp.float32),
            jax.ShapeDtypeStruct((1, 1), jnp.float32),
        ],
    )(a_bf16, embed_bf16, xx3, ee2, csize2d)
    return idx3, loss, perp


def _sc_gather(idx_flat, table, n_rows):
    NC, NS = 2, 16
    NW = NC * NS
    b_per_w = n_rows // NW
    CB = 96
    C = b_per_w // CB
    mesh = plsc.VectorSubcoreMesh(core_axis_name="c", subcore_axis_name="s",
                                  num_cores=NC, num_subcores=NS)

    @functools.partial(
        pl.kernel, mesh=mesh,
        out_type=jax.ShapeDtypeStruct((n_rows, _DIM), jnp.float32),
        scratch_types=[
            pltpu.VMEM((b_per_w,), jnp.int32),
            pltpu.VMEM((b_per_w, _DIM), jnp.float32),
            pltpu.SemaphoreType.DMA,
        ],
    )
    def k(idx_hbm, table_hbm, out_hbm, idx_v, rows_v, sem):
        wid = lax.axis_index("s") * NC + lax.axis_index("c")
        base = wid * b_per_w
        pltpu.sync_copy(idx_hbm.at[pl.ds(base, b_per_w)], idx_v)
        copies = [
            pltpu.async_copy(table_hbm.at[idx_v.at[pl.ds(c * CB, CB)]],
                             rows_v.at[pl.ds(c * CB, CB), :], sem)
            for c in range(C)
        ]
        for cp in copies:
            cp.wait()
        pltpu.sync_copy(rows_v, out_hbm.at[pl.ds(base, b_per_w)])

    return k(idx_flat, table)


def kernel(x, embed, cluster_size):
    x = x.astype(jnp.float32)
    shape = x.shape
    n = shape[0] * shape[1]
    x_flat = x.reshape(n, _DIM)
    a_bf16 = (2.0 * x_flat).astype(jnp.bfloat16)
    embed_bf16 = embed.astype(jnp.bfloat16)
    xx3 = jnp.sum(x_flat * x_flat, axis=-1).reshape(n // _NB, 1, _NB)
    ee2 = jnp.sum(embed * embed, axis=-1).reshape(_K, 1)
    csize2d = cluster_size.reshape(_K // 128, 128)

    idx3, loss, perp = _vq_distances(a_bf16, embed_bf16, xx3, ee2, csize2d)
    idx_flat = idx3.reshape(n)
    quantize = _sc_gather(idx_flat, embed, n)

    embed_ind = idx_flat.reshape(shape[:-1])
    quantize_st = quantize.reshape(shape)
    commit_loss = loss[0, 0] / jnp.float32(n * _DIM)
    perplexity = perp[0, 0]
    return (quantize_st, embed_ind, commit_loss, perplexity)

# --- scband reference (transcript-rebuilt; emitter-appended) ---
"""Pipeline reference for scband-vector-quantize-618475291341 (READ-ONLY COPY).

The authoritative reference and input builder live on the scoring server;
editing this copy changes nothing except your own understanding.
"""

import jax, jax.numpy as jnp
import numpy as np

DIM = 256
CODEBOOK_SIZE = 8192
EPS = 1e-05


def setup_inputs(seed: int = 0) -> dict:
    key = jax.random.key(seed)
    k1, k2 = jax.random.split(key)
    x = jax.random.normal(k1, (16, 576, DIM), dtype=jnp.float32)
    # kaiming-uniform style init for the codebook (uniform_init in torch)
    bound = float(np.sqrt(6.0 / DIM))
    embed = jax.random.uniform(k2, (CODEBOOK_SIZE, DIM), dtype=jnp.float32, minval=-bound, maxval=bound)
    cluster_size = jnp.zeros((CODEBOOK_SIZE,), dtype=jnp.float32)
    return {"x": x, "embed": embed, "cluster_size": cluster_size}


def reference(x, embed, cluster_size):
    # VectorQuantize.forward in eval mode, heads=1, no projection
    # (codebook_input_dim == dim so project_in/out are Identity),
    # sample_codebook_temp=0 -> argmax, accept_image_fmap=False.
    x = x.astype(jnp.float32)
    shape = x.shape
    flatten = x.reshape(-1, shape[-1])  # (N, d)
    embed_t = embed.T  # (d, K)
    # dist = -(||x||^2 - 2 x e^T + ||e||^2)
    dist = -(jnp.sum(flatten ** 2, axis=1, keepdims=True)
             - 2.0 * flatten @ embed_t
             + jnp.sum(embed_t ** 2, axis=0, keepdims=True))  # (N, K)
    embed_ind = jnp.argmax(dist, axis=-1)  # temperature == 0 -> argmax
    embed_ind = embed_ind.reshape(shape[:-1])
    quantize = jnp.take(embed, embed_ind, axis=0)  # F.embedding
    # perplexity from EMA cluster_size buffer
    probs = cluster_size
    perplexity = jnp.exp(-jnp.sum(probs * jnp.log(probs + EPS)))
    # straight-through estimator and commitment loss (commitment_weight=1.0)
    commit_loss = jnp.mean((jax.lax.stop_gradient(quantize) - x) ** 2) * 1.0
    quantize_st = x + jax.lax.stop_gradient(quantize - x)
    return (quantize_st, embed_ind, commit_loss, perplexity)

if __name__ == "__main__":
    import jax
    _d = setup_inputs()
    print(jax.jit(kernel)(*tuple(_d.values())))

</pallas_src>

<mosaic_0001>
#map = affine_map<(d0, d1) -> (0)>
#map1 = affine_map<(d0, d1) -> (0, 0)>
module attributes {stable_mosaic.version = 14 : i64} {
  func.func @k(%arg0: i32, %arg1: i32, %arg2: memref<9216xi32, #tpu.memory_space<hbm>>, %arg3: memref<8192x256xf32, #tpu.memory_space<hbm>>, %arg4: memref<9216x256xf32, #tpu.memory_space<hbm>>, %arg5: memref<288xi32, #tpu.memory_space<vmem>>, %arg6: memref<288x256xf32, #tpu.memory_space<vmem>>, %arg7: memref<!tpu.dma_semaphore, #tpu.memory_space<semaphore_mem>>) attributes {dimension_semantics = [#tpu.dimension_semantics<core_parallel>, #tpu.dimension_semantics<subcore_parallel>], iteration_bounds = array<i64: 2, 16>, scalar_prefetch = 0 : i64, scratch_operands = 3 : i64, tpu.core_type = #tpu.core_type<sc_vector_subcore>, window_params = [{transform_indices = #map}, {transform_indices = #map1}, {transform_indices = #map1}]} {
    %mul3A = arith.constant 2 : i32
    %mul3A_0 = arith.muli %arg1, %mul3A : i32
    %add3A = arith.addi %mul3A_0, %arg0 : i32
    %mul3A_1 = arith.constant 288 : i32
    %mul3A_2 = arith.muli %add3A, %mul3A_1 : i32
    "tpu.region"() ({
      %run_scoped3A = tpu.sem_alloc : memref<!tpu.dma_semaphore, #tpu.memory_space<semaphore_mem>>
      %dma_start3A_49 = tpu.memref_slice %arg2[%mul3A_2] : memref<9216xi32, #tpu.memory_space<hbm>> -> memref<288xi32, #tpu.memory_space<hbm>>
      %dma_start3A_50 = tpu.memref_slice %arg2[%mul3A_2] : memref<9216xi32, #tpu.memory_space<hbm>> -> memref<288xi32, #tpu.memory_space<hbm>>
      tpu.enqueue_dma source(%dma_start3A_50 : memref<288xi32, #tpu.memory_space<hbm>>) target(%arg5 : memref<288xi32, #tpu.memory_space<vmem>>) target_semaphore(%run_scoped3A : memref<!tpu.dma_semaphore, #tpu.memory_space<semaphore_mem>>)
      %dma_wait3A_51 = tpu.memref_slice %arg2[%mul3A_2] : memref<9216xi32, #tpu.memory_space<hbm>> -> memref<288xi32, #tpu.memory_space<hbm>>
      %dma_wait3A_52 = tpu.memref_slice %arg2[%mul3A_2] : memref<9216xi32, #tpu.memory_space<hbm>> -> memref<288xi32, #tpu.memory_space<hbm>>
      tpu.wait_dma2 semaphore(%run_scoped3A : memref<!tpu.dma_semaphore, #tpu.memory_space<semaphore_mem>>) src(%dma_wait3A_52 : memref<288xi32, #tpu.memory_space<hbm>>) dst(%arg5 : memref<288xi32, #tpu.memory_space<vmem>>)
      tpu.yield
    }) : () -> ()
    %dma_start3A = arith.constant 0 : i32
    %dma_start3A_3 = arith.constant 0 : i32
    %dma_start3A_4 = tpu.memref_slice %arg6[%dma_start3A, %dma_start3A_3] : memref<288x256xf32, #tpu.memory_space<vmem>> -> memref<96x256xf32, #tpu.memory_space<vmem>>
    %dma_start3A_5 = arith.constant 0 : i32
    %dma_start3A_6 = tpu.memref_slice %arg5[%dma_start3A_5] : memref<288xi32, #tpu.memory_space<vmem>> -> memref<96xi32, #tpu.memory_space<vmem>>
    %dma_start3A_7 = arith.constant 0 : i32
    %dma_start3A_8 = arith.constant 0 : i32
    %dma_start3A_9 = tpu.memref_slice %arg3[%dma_start3A_7, %dma_start3A_8] : memref<8192x256xf32, #tpu.memory_space<hbm>> -> memref<8192x256xf32, #tpu.memory_space<hbm>>
    tpu.enqueue_indirect_dma source(%dma_start3A_9 : memref<8192x256xf32, #tpu.memory_space<hbm>>) target(%dma_start3A_4 : memref<96x256xf32, #tpu.memory_space<vmem>>) offsets(%dma_start3A_6 : memref<96xi32, #tpu.memory_space<vmem>>) semaphore(%arg7 : memref<!tpu.dma_semaphore, #tpu.memory_space<semaphore_mem>>)
    %dma_start3A_10 = arith.constant 96 : i32
    %dma_start3A_11 = arith.constant 0 : i32
    %dma_start3A_12 = tpu.memref_slice %arg6[%dma_start3A_10, %dma_start3A_11] : memref<288x256xf32, #tpu.memory_space<vmem>> -> memref<96x256xf32, #tpu.memory_space<vmem>>
    %dma_start3A_13 = arith.constant 96 : i32
    %dma_start3A_14 = tpu.memref_slice %arg5[%dma_start3A_13] : memref<288xi32, #tpu.memory_space<vmem>> -> memref<96xi32, #tpu.memory_space<vmem>>
    %dma_start3A_15 = arith.constant 0 : i32
    %dma_start3A_16 = arith.constant 0 : i32
    %dma_start3A_17 = tpu.memref_slice %arg3[%dma_start3A_15, %dma_start3A_16] : memref<8192x256xf32, #tpu.memory_space<hbm>> -> memref<8192x256xf32, #tpu.memory_space<hbm>>
    tpu.enqueue_indirect_dma source(%dma_start3A_17 : memref<8192x256xf32, #tpu.memory_space<hbm>>) target(%dma_start3A_12 : memref<96x256xf32, #tpu.memory_space<vmem>>) offsets(%dma_start3A_14 : memref<96xi32, #tpu.memory_space<vmem>>) semaphore(%arg7 : memref<!tpu.dma_semaphore, #tpu.memory_space<semaphore_mem>>)
    %dma_start3A_18 = arith.constant 192 : i32
    %dma_start3A_19 = arith.constant 0 : i32
    %dma_start3A_20 = tpu.memref_slice %arg6[%dma_start3A_18, %dma_start3A_19] : memref<288x256xf32, #tpu.memory_space<vmem>> -> memref<96x256xf32, #tpu.memory_space<vmem>>
    %dma_start3A_21 = arith.constant 192 : i32
    %dma_start3A_22 = tpu.memref_slice %arg5[%dma_start3A_21] : memref<288xi32, #tpu.memory_space<vmem>> -> memref<96xi32, #tpu.memory_space<vmem>>
    %dma_start3A_23 = arith.constant 0 : i32
    %dma_start3A_24 = arith.constant 0 : i32
    %dma_start3A_25 = tpu.memref_slice %arg3[%dma_start3A_23, %dma_start3A_24] : memref<8192x256xf32, #tpu.memory_space<hbm>> -> memref<8192x256xf32, #tpu.memory_space<hbm>>
    tpu.enqueue_indirect_dma source(%dma_start3A_25 : memref<8192x256xf32, #tpu.memory_space<hbm>>) target(%dma_start3A_20 : memref<96x256xf32, #tpu.memory_space<vmem>>) offsets(%dma_start3A_22 : memref<96xi32, #tpu.memory_space<vmem>>) semaphore(%arg7 : memref<!tpu.dma_semaphore, #tpu.memory_space<semaphore_mem>>)
    %dma_wait3A = arith.constant 0 : i32
    %dma_wait3A_26 = arith.constant 0 : i32
    %dma_wait3A_27 = tpu.memref_slice %arg6[%dma_wait3A, %dma_wait3A_26] : memref<288x256xf32, #tpu.memory_space<vmem>> -> memref<96x256xf32, #tpu.memory_space<vmem>>
    %dma_wait3A_28 = arith.constant 0 : i32
    %dma_wait3A_29 = tpu.memref_slice %arg5[%dma_wait3A_28] : memref<288xi32, #tpu.memory_space<vmem>> -> memref<96xi32, #tpu.memory_space<vmem>>
    %dma_wait3A_30 = arith.constant 0 : i32
    %dma_wait3A_31 = arith.constant 0 : i32
    %dma_wait3A_32 = tpu.memref_slice %arg3[%dma_wait3A_30, %dma_wait3A_31] : memref<8192x256xf32, #tpu.memory_space<hbm>> -> memref<8192x256xf32, #tpu.memory_space<hbm>>
    tpu.wait_indirect_dma semaphore(%arg7 : memref<!tpu.dma_semaphore, #tpu.memory_space<semaphore_mem>>) src(%dma_wait3A_32 : memref<8192x256xf32, #tpu.memory_space<hbm>>) dst(%dma_wait3A_27 : memref<96x256xf32, #tpu.memory_space<vmem>>)
    %dma_wait3A_33 = arith.constant 96 : i32
    %dma_wait3A_34 = arith.constant 0 : i32
    %dma_wait3A_35 = tpu.memref_slice %arg6[%dma_wait3A_33, %dma_wait3A_34] : memref<288x256xf32, #tpu.memory_space<vmem>> -> memref<96x256xf32, #tpu.memory_space<vmem>>
    %dma_wait3A_36 = arith.constant 96 : i32
    %dma_wait3A_37 = tpu.memref_slice %arg5[%dma_wait3A_36] : memref<288xi32, #tpu.memory_space<vmem>> -> memref<96xi32, #tpu.memory_space<vmem>>
    %dma_wait3A_38 = arith.constant 0 : i32
    %dma_wait3A_39 = arith.constant 0 : i32
    %dma_wait3A_40 = tpu.memref_slice %arg3[%dma_wait3A_38, %dma_wait3A_39] : memref<8192x256xf32, #tpu.memory_space<hbm>> -> memref<8192x256xf32, #tpu.memory_space<hbm>>
    tpu.wait_indirect_dma semaphore(%arg7 : memref<!tpu.dma_semaphore, #tpu.memory_space<semaphore_mem>>) src(%dma_wait3A_40 : memref<8192x256xf32, #tpu.memory_space<hbm>>) dst(%dma_wait3A_35 : memref<96x256xf32, #tpu.memory_space<vmem>>)
    %dma_wait3A_41 = arith.constant 192 : i32
    %dma_wait3A_42 = arith.constant 0 : i32
    %dma_wait3A_43 = tpu.memref_slice %arg6[%dma_wait3A_41, %dma_wait3A_42] : memref<288x256xf32, #tpu.memory_space<vmem>> -> memref<96x256xf32, #tpu.memory_space<vmem>>
    %dma_wait3A_44 = arith.constant 192 : i32
    %dma_wait3A_45 = tpu.memref_slice %arg5[%dma_wait3A_44] : memref<288xi32, #tpu.memory_space<vmem>> -> memref<96xi32, #tpu.memory_space<vmem>>
    %dma_wait3A_46 = arith.constant 0 : i32
    %dma_wait3A_47 = arith.constant 0 : i32
    %dma_wait3A_48 = tpu.memref_slice %arg3[%dma_wait3A_46, %dma_wait3A_47] : memref<8192x256xf32, #tpu.memory_space<hbm>> -> memref<8192x256xf32, #tpu.memory_space<hbm>>
    tpu.wait_indirect_dma semaphore(%arg7 : memref<!tpu.dma_semaphore, #tpu.memory_space<semaphore_mem>>) src(%dma_wait3A_48 : memref<8192x256xf32, #tpu.memory_space<hbm>>) dst(%dma_wait3A_43 : memref<96x256xf32, #tpu.memory_space<vmem>>)
    "tpu.region"() ({
      %run_scoped3A = tpu.sem_alloc : memref<!tpu.dma_semaphore, #tpu.memory_space<semaphore_mem>>
      %dma_start3A_49 = arith.constant 0 : i32
      %dma_start3A_50 = tpu.memref_slice %arg4[%mul3A_2, %dma_start3A_49] : memref<9216x256xf32, #tpu.memory_space<hbm>> -> memref<288x256xf32, #tpu.memory_space<hbm>>
      %dma_start3A_51 = arith.constant 0 : i32
      %dma_start3A_52 = tpu.memref_slice %arg4[%mul3A_2, %dma_start3A_51] : memref<9216x256xf32, #tpu.memory_space<hbm>> -> memref<288x256xf32, #tpu.memory_space<hbm>>
      tpu.enqueue_dma source(%arg6 : memref<288x256xf32, #tpu.memory_space<vmem>>) target(%dma_start3A_52 : memref<288x256xf32, #tpu.memory_space<hbm>>) target_semaphore(%run_scoped3A : memref<!tpu.dma_semaphore, #tpu.memory_space<semaphore_mem>>)
      %dma_wait3A_53 = arith.constant 0 : i32
      %dma_wait3A_54 = tpu.memref_slice %arg4[%mul3A_2, %dma_wait3A_53] : memref<9216x256xf32, #tpu.memory_space<hbm>> -> memref<288x256xf32, #tpu.memory_space<hbm>>
      %dma_wait3A_55 = arith.constant 0 : i32
      %dma_wait3A_56 = tpu.memref_slice %arg4[%mul3A_2, %dma_wait3A_55] : memref<9216x256xf32, #tpu.memory_space<hbm>> -> memref<288x256xf32, #tpu.memory_space<hbm>>
      tpu.wait_dma2 semaphore(%run_scoped3A : memref<!tpu.dma_semaphore, #tpu.memory_space<semaphore_mem>>) src(%arg6 : memref<288x256xf32, #tpu.memory_space<vmem>>) dst(%dma_wait3A_56 : memref<288x256xf32, #tpu.memory_space<hbm>>)
      tpu.yield
    }) : () -> ()
    return
  }
}

module attributes {stable_mosaic.version = 14 : i64} {
  func.func @_vq_tc_body(%arg0: i32, %arg1: memref<768x256xbf16, #tpu.memory_space<vmem>>, %arg2: memref<8192x256xbf16, #tpu.memory_space<vmem>>, %arg3: memref<1x1x768xf32, #tpu.memory_space<vmem>>, %arg4: memref<8192x1xf32, #tpu.memory_space<vmem>>, %arg5: memref<64x128xf32, #tpu.memory_space<vmem>>, %arg6: memref<1x1x768xi32, #tpu.memory_space<vmem>>, %arg7: memref<1x1xf32, #tpu.memory_space<smem>>, %arg8: memref<1x1xf32, #tpu.memory_space<smem>>) attributes {dimension_semantics = [#tpu.dimension_semantics<arbitrary>], iteration_bounds = array<i64: 12>, scalar_prefetch = 0 : i64, scratch_operands = 0 : i64, tpu.core_type = #tpu.core_type<tc>, window_params = [{transform_indices = @transform_0, window_bounds = array<i64: 768, 256>}, {pipeline_mode = #tpu.pipeline_mode<synchronous>, transform_indices = @transform_1, window_bounds = array<i64: 8192, 256>}, {transform_indices = @transform_2, window_bounds = array<i64: 1, 1, 768>}, {pipeline_mode = #tpu.pipeline_mode<synchronous>, transform_indices = @transform_3, window_bounds = array<i64: 8192, 1>}, {pipeline_mode = #tpu.pipeline_mode<synchronous>, transform_indices = @transform_4, window_bounds = array<i64: 64, 128>}, {transform_indices = @transform_5, window_bounds = array<i64: 1, 1, 768>}, {transform_indices = @transform_6, window_bounds = array<i64: 1, 1>}, {transform_indices = @transform_7, window_bounds = array<i64: 1, 1>}]} {
    %eq3A = arith.constant 0 : i32
    %eq3A_0 = arith.cmpi eq, %arg0, %eq3A : i32
    %convert_element_type3A = arith.extui %eq3A_0 : i1 to i32
    %cond3A = arith.constant 0 : i32
    %cond3A_1 = arith.cmpi ne, %convert_element_type3A, %cond3A : i32
    scf.if %cond3A_1 {
      %get3A_765 = arith.constant 0 : index
      %get3A_766 = arith.constant 0 : index
      %get3A_767 = vector.load %arg5[%get3A_765, %get3A_766] : memref<64x128xf32, #tpu.memory_space<vmem>>, vector<64x128xf32>
      %add3A_768 = arith.constant 9.99999974E-6 : f32
      %add3A_769 = vector.broadcast %add3A_768 : f32 to vector<64x128xf32>
      %add3A_770 = arith.addf %get3A_767, %add3A_769 : vector<64x128xf32>
      %log3A = math.log %add3A_770 : vector<64x128xf32>
      %mul3A = arith.mulf %get3A_767, %log3A : vector<64x128xf32>
      %reduce_sum3A_771 = vector.shape_cast %mul3A : vector<64x128xf32> to vector<1x64x128xf32>
      %reduce_sum3A_772 = arith.constant dense<0.000000e+00> : vector<1xf32>
      %reduce_sum3A_773 = vector.multi_reduction <add>, %reduce_sum3A_771, %reduce_sum3A_772 [1, 2] : vector<1x64x128xf32> to vector<1xf32>
      %reduce_sum3A_774 = vector.shape_cast %reduce_sum3A_773 : vector<1xf32> to vector<1x1x1xf32>
      %reduce_sum3A_775 = vector.extract %reduce_sum3A_774[0, 0, 0] : f32 from vector<1x1x1xf32>
      %neg3A_776 = arith.constant 0.000000e+00 : f32
      %neg3A_777 = arith.subf %neg3A_776, %reduce_sum3A_775 : f32
      %exp3A = math.exp %neg3A_777 : f32
      %swap3A_778 = arith.constant 0 : index
      %swap3A_779 = arith.constant 0 : index
      %swap3A_780 = memref.load %arg8[%swap3A_778, %swap3A_779] : memref<1x1xf32, #tpu.memory_space<smem>>
      memref.store %exp3A, %arg8[%swap3A_778, %swap3A_779] : memref<1x1xf32, #tpu.memory_space<smem>>
      %swap3A_781 = arith.constant 0.000000e+00 : f32
      %swap3A_782 = arith.constant 0 : index
      %swap3A_783 = arith.constant 0 : index
      %swap3A_784 = memref.load %arg7[%swap3A_782, %swap3A_783] : memref<1x1xf32, #tpu.memory_space<smem>>
      memref.store %swap3A_781, %arg7[%swap3A_782, %swap3A_783] : memref<1x1xf32, #tpu.memory_space<smem>>
    } else {
    }
    %get3A = arith.constant 0 : index
    %get3A_2 = arith.constant 0 : index
    %get3A_3 = vector.load %arg2[%get3A, %get3A_2] : memref<8192x256xbf16, #tpu.memory_space<vmem>>, vector<8192x256xbf16>
    %get3A_4 = arith.constant 0 : index
    %get3A_5 = arith.constant 0 : index
    %get3A_6 = vector.load %arg1[%get3A_4, %get3A_5] : memref<768x256xbf16, #tpu.memory_space<vmem>>, vector<768x256xbf16>
    %dot_general3A = arith.constant dense<0.000000e+00> : vector<8192x768xf32>
    %dot_general3A_7 = tpu.matmul %get3A_3, %get3A_6, %dot_general3A {dimension_numbers = #tpu.dot_dimension_numbers<[1], [1], [0], [0], [0, 0, 1, 0], [], []>, transpose_lhs_hint = false} : vector<8192x256xbf16>, vector<768x256xbf16>, vector<8192x768xf32> -> vector<8192x768xf32>
    %get3A_8 = arith.constant 0 : index
    %get3A_9 = arith.constant 0 : index
    %get3A_10 = arith.constant 0 : index
    %get3A_11 = vector.load %arg3[%get3A_8, %get3A_9, %get3A_10] : memref<1x1x768xf32, #tpu.memory_space<vmem>>, vector<1x1x768xf32>
    %get3A_12 = vector.shape_cast %get3A_11 : vector<1x1x768xf32> to vector<768xf32>
    %broadcast_in_dim3A = vector.shape_cast %get3A_12 : vector<768xf32> to vector<1x768xf32>
    %sub3A = vector.broadcast %broadcast_in_dim3A : vector<1x768xf32> to vector<8192x768xf32>
    %sub3A_13 = arith.subf %dot_general3A_7, %sub3A : vector<8192x768xf32>
    %get3A_14 = arith.constant 0 : index
    %get3A_15 = arith.constant 0 : index
    %get3A_16 = vector.load %arg4[%get3A_14, %get3A_15] : memref<8192x1xf32, #tpu.memory_space<vmem>>, vector<8192x1xf32>
    %sub3A_17 = vector.broadcast %get3A_16 : vector<8192x1xf32> to vector<8192x768xf32>
    %sub3A_18 = arith.subf %sub3A_13, %sub3A_17 : vector<8192x768xf32>
    %iota3A = tpu.iota {dimensions = array<i32: 0>} : vector<128x768xi32>
    %broadcast_in_dim3A_19 = arith.constant 0xFF800000 : f32
    %broadcast_in_dim3A_20 = vector.broadcast %broadcast_in_dim3A_19 : f32 to vector<128x768xf32>
    %broadcast_in_dim3A_21 = arith.constant 0 : i32
    %broadcast_in_dim3A_22 = vector.broadcast %broadcast_in_dim3A_21 : i32 to vector<128x768xi32>
    %broadcast_in_dim3A_23 = arith.constant 0 : i32
    %broadcast_in_dim3A_24 = vector.broadcast %broadcast_in_dim3A_23 : i32 to vector<128x768xi32>
    %broadcast_in_dim3A_25 = arith.constant 0 : i32
    %broadcast_in_dim3A_26 = vector.broadcast %broadcast_in_dim3A_25 : i32 to vector<128x768xi32>
    %slice3A = vector.extract_strided_slice %sub3A_18 {offsets = [0, 0], sizes = [128, 768], strides = [1, 1]} : vector<8192x768xf32> to vector<128x768xf32>
    %add3A = arith.constant 0 : i32
    %add3A_27 = vector.broadcast %add3A : i32 to vector<128x768xi32>
    %add3A_28 = arith.addi %iota3A, %add3A_27 : vector<128x768xi32>
    %gt3A = arith.cmpf ogt, %slice3A, %broadcast_in_dim3A_20 : vector<128x768xf32>
    %select_n3A = arith.select %gt3A, %slice3A, %broadcast_in_dim3A_20 : vector<128x768xi1>, vector<128x768xf32>
    %select_n3A_29 = arith.select %gt3A, %add3A_28, %broadcast_in_dim3A_22 : vector<128x768xi1>, vector<128x768xi32>
    %slice3A_30 = vector.extract_strided_slice %sub3A_18 {offsets = [128, 0], sizes = [128, 768], strides = [1, 1]} : vector<8192x768xf32> to vector<128x768xf32>
    %add3A_31 = arith.constant 128 : i32
    %add3A_32 = vector.broadcast %add3A_31 : i32 to vector<128x768xi32>
    %add3A_33 = arith.addi %iota3A, %add3A_32 : vector<128x768xi32>
    %gt3A_34 = arith.cmpf ogt, %slice3A_30, %select_n3A : vector<128x768xf32>
    %select_n3A_35 = arith.select %gt3A_34, %slice3A_30, %select_n3A : vector<128x768xi1>, vector<128x768xf32>
    %select_n3A_36 = arith.select %gt3A_34, %add3A_33, %select_n3A_29 : vector<128x768xi1>, vector<128x768xi32>
    %slice3A_37 = vector.extract_strided_slice %sub3A_18 {offsets = [256, 0], sizes = [128, 768], strides = [1, 1]} : vector<8192x768xf32> to vector<128x768xf32>
    %add3A_38 = arith.constant 256 : i32
    %add3A_39 = vector.broadcast %add3A_38 : i32 to vector<128x768xi32>
    %add3A_40 = arith.addi %iota3A, %add3A_39 : vector<128x768xi32>
    %gt3A_41 = arith.cmpf ogt, %slice3A_37, %select_n3A_35 : vector<128x768xf32>
    %select_n3A_42 = arith.select %gt3A_41, %slice3A_37, %select_n3A_35 : vector<128x768xi1>, vector<128x768xf32>
    %select_n3A_43 = arith.select %gt3A_41, %add3A_40, %select_n3A_36 : vector<128x768xi1>, vector<128x768xi32>
    %slice3A_44 = vector.extract_strided_slice %sub3A_18 {offsets = [384, 0], sizes = [128, 768], strides = [1, 1]} : vector<8192x768xf32> to vector<128x768xf32>
    %add3A_45 = arith.constant 384 : i32
    %add3A_46 = vector.broadcast %add3A_45 : i32 to vector<128x768xi32>
    %add3A_47 = arith.addi %iota3A, %add3A_46 : vector<128x768xi32>
    %gt3A_48 = arith.cmpf ogt, %slice3A_44, %select_n3A_42 : vector<128x768xf32>
    %select_n3A_49 = arith.select %gt3A_48, %slice3A_44, %select_n3A_42 : vector<128x768xi1>, vector<128x768xf32>
    %select_n3A_50 = arith.select %gt3A_48, %add3A_47, %select_n3A_43 : vector<128x768xi1>, vector<128x768xi32>
    %slice3A_51 = vector.extract_strided_slice %sub3A_18 {offsets = [512, 0], sizes = [128, 768], strides = [1, 1]} : vector<8192x768xf32> to vector<128x768xf32>
    %add3A_52 = arith.constant 512 : i32
    %add3A_53 = vector.broadcast %add3A_52 : i32 to vector<128x768xi32>
    %add3A_54 = arith.addi %iota3A, %add3A_53 : vector<128x768xi32>
    %gt3A_55 = arith.cmpf ogt, %slice3A_51, %select_n3A_49 : vector<128x768xf32>
    %select_n3A_56 = arith.select %gt3A_55, %slice3A_51, %select_n3A_49 : vector<128x768xi1>, vector<128x768xf32>
    %select_n3A_57 = arith.select %gt3A_55, %add3A_54, %select_n3A_50 : vector<128x768xi1>, vector<128x768xi32>
    %slice3A_58 = vector.extract_strided_slice %sub3A_18 {offsets = [640, 0], sizes = [128, 768], strides = [1, 1]} : vector<8192x768xf32> to vector<128x768xf32>
    %add3A_59 = arith.constant 640 : i32
    %add3A_60 = vector.broadcast %add3A_59 : i32 to vector<128x768xi32>
    %add3A_61 = arith.addi %iota3A, %add3A_60 : vector<128x768xi32>
    %gt3A_62 = arith.cmpf ogt, %slice3A_58, %select_n3A_56 : vector<128x768xf32>
    %select_n3A_63 = arith.select %gt3A_62, %slice3A_58, %select_n3A_56 : vector<128x768xi1>, vector<128x768xf32>
    %select_n3A_64 = arith.select %gt3A_62, %add3A_61, %select_n3A_57 : vector<128x768xi1>, vector<128x768xi32>
    %slice3A_65 = vector.extract_strided_slice %sub3A_18 {offsets = [768, 0], sizes = [128, 768], strides = [1, 1]} : vector<8192x768xf32> to vector<128x768xf32>
    %add3A_66 = arith.constant 768 : i32
    %add3A_67 = vector.broadcast %add3A_66 : i32 to vector<128x768xi32>
    %add3A_68 = arith.addi %iota3A, %add3A_67 : vector<128x768xi32>
    %gt3A_69 = arith.cmpf ogt, %slice3A_65, %select_n3A_63 : vector<128x768xf32>
    %select_n3A_70 = arith.select %gt3A_69, %slice3A_65, %select_n3A_63 : vector<128x768xi1>, vector<128x768xf32>
    %select_n3A_71 = arith.select %gt3A_69, %add3A_68, %select_n3A_64 : vector<128x768xi1>, vector<128x768xi32>
    %slice3A_72 = vector.extract_strided_slice %sub3A_18 {offsets = [896, 0], sizes = [128, 768], strides = [1, 1]} : vector<8192x768xf32> to vector<128x768xf32>
    %add3A_73 = arith.constant 896 : i32
    %add3A_74 = vector.broadcast %add3A_73 : i32 to vector<128x768xi32>
    %add3A_75 = arith.addi %iota3A, %add3A_74 : vector<128x768xi32>
    %gt3A_76 = arith.cmpf ogt, %slice3A_72, %select_n3A_70 : vector<128x768xf32>
    %select_n3A_77 = arith.select %gt3A_76, %slice3A_72, %select_n3A_70 : vector<128x768xi1>, vector<128x768xf32>
    %select_n3A_78 = arith.select %gt3A_76, %add3A_75, %select_n3A_71 : vector<128x768xi1>, vector<128x768xi32>
    %slice3A_79 = vector.extract_strided_slice %sub3A_18 {offsets = [1024, 0], sizes = [128, 768], strides = [1, 1]} : vector<8192x768xf32> to vector<128x768xf32>
    %add3A_80 = arith.constant 1024 : i32
    %add3A_81 = vector.broadcast %add3A_80 : i32 to vector<128x768xi32>
    %add3A_82 = arith.addi %iota3A, %add3A_81 : vector<128x768xi32>
    %gt3A_83 = arith.cmpf ogt, %slice3A_79, %select_n3A_77 : vector<128x768xf32>
    %select_n3A_84 = arith.select %gt3A_83, %slice3A_79, %select_n3A_77 : vector<128x768xi1>, vector<128x768xf32>
    %select_n3A_85 = arith.select %gt3A_83, %add3A_82, %select_n3A_78 : vector<128x768xi1>, vector<128x768xi32>
    %slice3A_86 = vector.extract_strided_slice %sub3A_18 {offsets = [1152, 0], sizes = [128, 768], strides = [1, 1]} : vector<8192x768xf32> to vector<128x768xf32>
    %add3A_87 = arith.constant 1152 : i32
    %add3A_88 = vector.broadcast %add3A_87 : i32 to vector<128x768xi32>
    %add3A_89 = arith.addi %iota3A, %add3A_88 : vector<128x768xi32>
    %gt3A_90 = arith.cmpf ogt, %slice3A_86, %select_n3A_84 : vector<128x768xf32>
    %select_n3A_91 = arith.select %gt3A_90, %slice3A_86, %select_n3A_84 : vector<128x768xi1>, vector<128x768xf32>
    %select_n3A_92 = arith.select %gt3A_90, %add3A_89, %select_n3A_85 : vector<128x768xi1>, vector<128x768xi32>
    %slice3A_93 = vector.extract_strided_slice %sub3A_18 {offsets = [1280, 0], sizes = [128, 768], strides = [1, 1]} : vector<8192x768xf32> to vector<128x768xf32>
    %add3A_94 = arith.constant 1280 : i32
    %add3A_95 = vector.broadcast %add3A_94 : i32 to vector<128x768xi32>
    %add3A_96 = arith.addi %iota3A, %add3A_95 : vector<128x768xi32>
    %gt3A_97 = arith.cmpf ogt, %slice3A_93, %select_n3A_91 : vector<128x768xf32>
    %select_n3A_98 = arith.select %gt3A_97, %slice3A_93, %select_n3A_91 : vector<128x768xi1>, vector<128x768xf32>
    %select_n3A_99 = arith.select %gt3A_97, %add3A_96, %select_n3A_92 : vector<128x768xi1>, vector<128x768xi32>
    %slice3A_100 = vector.extract_strided_slice %sub3A_18 {offsets = [1408, 0], sizes = [128, 768], strides = [1, 1]} : vector<8192x768xf32> to vector<128x768xf32>
    %add3A_101 = arith.constant 1408 : i32
    %add3A_102 = vector.broadcast %add3A_101 : i32 to vector<128x768xi32>
    %add3A_103 = arith.addi %iota3A, %add3A_102 : vector<128x768xi32>
    %gt3A_104 = arith.cmpf ogt, %slice3A_100, %select_n3A_98 : vector<128x768xf32>
    %select_n3A_105 = arith.select %gt3A_104, %slice3A_100, %select_n3A_98 : vector<128x768xi1>, vector<128x768xf32>
    %select_n3A_106 = arith.select %gt3A_104, %add3A_103, %select_n3A_99 : vector<128x768xi1>, vector<128x768xi32>
    %slice3A_107 = vector.extract_strided_slice %sub3A_18 {offsets = [1536, 0], sizes = [128, 768], strides = [1, 1]} : vector<8192x768xf32> to vector<128x768xf32>
    %add3A_108 = arith.constant 1536 : i32
    %add3A_109 = vector.broadcast %add3A_108 : i32 to vector<128x768xi32>
    %add3A_110 = arith.addi %iota3A, %add3A_109 : vector<128x768xi32>
    %gt3A_111 = arith.cmpf ogt, %slice3A_107, %select_n3A_105 : vector<128x768xf32>
    %select_n3A_112 = arith.select %gt3A_111, %slice3A_107, %select_n3A_105 : vector<128x768xi1>, vector<128x768xf32>
    %select_n3A_113 = arith.select %gt3A_111, %add3A_110, %select_n3A_106 : vector<128x768xi1>, vector<128x768xi32>
    %slice3A_114 = vector.extract_strided_slice %sub3A_18 {offsets = [1664, 0], sizes = [128, 768], strides = [1, 1]} : vector<8192x768xf32> to vector<128x768xf32>
    %add3A_115 = arith.constant 1664 : i32
    %add3A_116 = vector.broadcast %add3A_115 : i32 to vector<128x768xi32>
    %add3A_117 = arith.addi %iota3A, %add3A_116 : vector<128x768xi32>
    %gt3A_118 = arith.cmpf ogt, %slice3A_114, %select_n3A_112 : vector<128x768xf32>
    %select_n3A_119 = arith.select %gt3A_118, %slice3A_114, %select_n3A_112 : vector<128x768xi1>, vector<128x768xf32>
    %select_n3A_120 = arith.select %gt3A_118, %add3A_117, %select_n3A_113 : vector<128x768xi1>, vector<128x768xi32>
    %slice3A_121 = vector.extract_strided_slice %sub3A_18 {offsets = [1792, 0], sizes = [128, 768], strides = [1, 1]} : vector<8192x768xf32> to vector<128x768xf32>
    %add3A_122 = arith.constant 1792 : i32
    %add3A_123 = vector.broadcast %add3A_122 : i32 to vector<128x768xi32>
    %add3A_124 = arith.addi %iota3A, %add3A_123 : vector<128x768xi32>
    %gt3A_125 = arith.cmpf ogt, %slice3A_121, %select_n3A_119 : vector<128x768xf32>
    %select_n3A_126 = arith.select %gt3A_125, %slice3A_121, %select_n3A_119 : vector<128x768xi1>, vector<128x768xf32>
    %select_n3A_127 = arith.select %gt3A_125, %add3A_124, %select_n3A_120 : vector<128x768xi1>, vector<128x768xi32>
    %slice3A_128 = vector.extract_strided_slice %sub3A_18 {offsets = [1920, 0], sizes = [128, 768], strides = [1, 1]} : vector<8192x768xf32> to vector<128x768xf32>
    %add3A_129 = arith.constant 1920 : i32
    %add3A_130 = vector.broadcast %add3A_129 : i32 to vector<128x768xi32>
    %add3A_131 = arith.addi %iota3A, %add3A_130 : vector<128x768xi32>
    %gt3A_132 = arith.cmpf ogt, %slice3A_128, %select_n3A_126 : vector<128x768xf32>
    %select_n3A_133 = arith.select %gt3A_132, %slice3A_128, %select_n3A_126 : vector<128x768xi1>, vector<128x768xf32>
    %select_n3A_134 = arith.select %gt3A_132, %add3A_131, %select_n3A_127 : vector<128x768xi1>, vector<128x768xi32>
    %slice3A_135 = vector.extract_strided_slice %sub3A_18 {offsets = [2048, 0], sizes = [128, 768], strides = [1, 1]} : vector<8192x768xf32> to vector<128x768xf32>
    %add3A_136 = arith.constant 2048 : i32
    %add3A_137 = vector.broadcast %add3A_136 : i32 to vector<128x768xi32>
    %add3A_138 = arith.addi %iota3A, %add3A_137 : vector<128x768xi32>
    %gt3A_139 = arith.cmpf ogt, %slice3A_135, %select_n3A_133 : vector<128x768xf32>
    %select_n3A_140 = arith.select %gt3A_139, %slice3A_135, %select_n3A_133 : vector<128x768xi1>, vector<128x768xf32>
    %select_n3A_141 = arith.select %gt3A_139, %add3A_138, %select_n3A_134 : vector<128x768xi1>, vector<128x768xi32>
    %slice3A_142 = vector.extract_strided_slice %sub3A_18 {offsets = [2176, 0], sizes = [128, 768], strides = [1, 1]} : vector<8192x768xf32> to vector<128x768xf32>
    %add3A_143 = arith.constant 2176 : i32
    %add3A_144 = vector.broadcast %add3A_143 : i32 to vector<128x768xi32>
    %add3A_145 = arith.addi %iota3A, %add3A_144 : vector<128x768xi32>
    %gt3A_146 = arith.cmpf ogt, %slice3A_142, %select_n3A_140 : vector<128x768xf32>
    %select_n3A_147 = arith.select %gt3A_146, %slice3A_142, %select_n3A_140 : vector<128x768xi1>, vector<128x768xf32>
    %select_n3A_148 = arith.select %gt3A_146, %add3A_145, %select_n3A_141 : vector<128x768xi1>, vector<128x768xi32>
    %slice3A_149 = vector.extract_strided_slice %sub3A_18 {offsets = [2304, 0], sizes = [128, 768], strides = [1, 1]} : vector<8192x768xf32> to vector<128x768xf32>
    %add3A_150 = arith.constant 2304 : i32
    %add3A_151 = vector.broadcast %add3A_150 : i32 to vector<128x768xi32>
    %add3A_152 = arith.addi %iota3A, %add3A_151 : vector<128x768xi32>
    %gt3A_153 = arith.cmpf ogt, %slice3A_149, %select_n3A_147 : vector<128x768xf32>
    %select_n3A_154 = arith.select %gt3A_153, %slice3A_149, %select_n3A_147 : vector<128x768xi1>, vector<128x768xf32>
    %select_n3A_155 = arith.select %gt3A_153, %add3A_152, %select_n3A_148 : vector<128x768xi1>, vector<128x768xi32>
    %slice3A_156 = vector.extract_strided_slice %sub3A_18 {offsets = [2432, 0], sizes = [128, 768], strides = [1, 1]} : vector<8192x768xf32> to vector<128x768xf32>
    %add3A_157 = arith.constant 2432 : i32
    %add3A_158 = vector.broadcast %add3A_157 : i32 to vector<128x768xi32>
    %add3A_159 = arith.addi %iota3A, %add3A_158 : vector<128x768xi32>
    %gt3A_160 = arith.cmpf ogt, %slice3A_156, %select_n3A_154 : vector<128x768xf32>
    %select_n3A_161 = arith.select %gt3A_160, %slice3A_156, %select_n3A_154 : vector<128x768xi1>, vector<128x768xf32>
    %select_n3A_162 = arith.select %gt3A_160, %add3A_159, %select_n3A_155 : vector<128x768xi1>, vector<128x768xi32>
    %slice3A_163 = vector.extract_strided_slice %sub3A_18 {offsets = [2560, 0], sizes = [128, 768], strides = [1, 1]} : vector<8192x768xf32> to vector<128x768xf32>
    %add3A_164 = arith.constant 2560 : i32
    %add3A_165 = vector.broadcast %add3A_164 : i32 to vector<128x768xi32>
    %add3A_166 = arith.addi %iota3A, %add3A_165 : vector<128x768xi32>
    %gt3A_167 = arith.cmpf ogt, %slice3A_163, %select_n3A_161 : vector<128x768xf32>
    %select_n3A_168 = arith.select %gt3A_167, %slice3A_163, %select_n3A_161 : vector<128x768xi1>, vector<128x768xf32>
    %select_n3A_169 = arith.select %gt3A_167, %add3A_166, %select_n3A_162 : vector<128x768xi1>, vector<128x768xi32>
    %slice3A_170 = vector.extract_strided_slice %sub3A_18 {offsets = [2688, 0], sizes = [128, 768], strides = [1, 1]} : vector<8192x768xf32> to vector<128x768xf32>
    %add3A_171 = arith.constant 2688 : i32
    %add3A_172 = vector.broadcast %add3A_171 : i32 to vector<128x768xi32>
    %add3A_173 = arith.addi %iota3A, %add3A_172 : vector<128x768xi32>
    %ge3A = arith.constant 0 : i32
    %ge3A_174 = vector.broadcast %ge3A : i32 to vector<128x768xi32>
    %ge3A_175 = arith.cmpi sge, %add3A_173, %ge3A_174 : vector<128x768xi32>
    %lt3A = arith.constant 2736 : i32
    %lt3A_176 = vector.broadcast %lt3A : i32 to vector<128x768xi32>
    %lt3A_177 = arith.cmpi slt, %add3A_173, %lt3A_176 : vector<128x768xi32>
    %and3A = arith.andi %ge3A_175, %lt3A_177 : vector<128x768xi1>
    %select_n3A_178 = arith.select %and3A, %slice3A_170, %broadcast_in_dim3A_20 : vector<128x768xi1>, vector<128x768xf32>
    %gt3A_179 = arith.cmpf ogt, %select_n3A_178, %select_n3A_168 : vector<128x768xf32>
    %select_n3A_180 = arith.select %gt3A_179, %select_n3A_178, %select_n3A_168 : vector<128x768xi1>, vector<128x768xf32>
    %select_n3A_181 = arith.select %gt3A_179, %add3A_173, %select_n3A_169 : vector<128x768xi1>, vector<128x768xi32>
    %ge3A_182 = arith.constant 2736 : i32
    %ge3A_183 = vector.broadcast %ge3A_182 : i32 to vector<128x768xi32>
    %ge3A_184 = arith.cmpi sge, %add3A_173, %ge3A_183 : vector<128x768xi32>
    %lt3A_185 = arith.constant 5472 : i32
    %lt3A_186 = vector.broadcast %lt3A_185 : i32 to vector<128x768xi32>
    %lt3A_187 = arith.cmpi slt, %add3A_173, %lt3A_186 : vector<128x768xi32>
    %and3A_188 = arith.andi %ge3A_184, %lt3A_187 : vector<128x768xi1>
    %select_n3A_189 = arith.select %and3A_188, %slice3A_170, %broadcast_in_dim3A_20 : vector<128x768xi1>, vector<128x768xf32>
    %gt3A_190 = arith.cmpf ogt, %select_n3A_189, %broadcast_in_dim3A_20 : vector<128x768xf32>
    %select_n3A_191 = arith.select %gt3A_190, %select_n3A_189, %broadcast_in_dim3A_20 : vector<128x768xi1>, vector<128x768xf32>
    %select_n3A_192 = arith.select %gt3A_190, %add3A_173, %broadcast_in_dim3A_24 : vector<128x768xi1>, vector<128x768xi32>
    %slice3A_193 = vector.extract_strided_slice %sub3A_18 {offsets = [2816, 0], sizes = [128, 768], strides = [1, 1]} : vector<8192x768xf32> to vector<128x768xf32>
    %add3A_194 = arith.constant 2816 : i32
    %add3A_195 = vector.broadcast %add3A_194 : i32 to vector<128x768xi32>
    %add3A_196 = arith.addi %iota3A, %add3A_195 : vector<128x768xi32>
    %gt3A_197 = arith.cmpf ogt, %slice3A_193, %select_n3A_191 : vector<128x768xf32>
    %select_n3A_198 = arith.select %gt3A_197, %slice3A_193, %select_n3A_191 : vector<128x768xi1>, vector<128x768xf32>
    %select_n3A_199 = arith.select %gt3A_197, %add3A_196, %select_n3A_192 : vector<128x768xi1>, vector<128x768xi32>
    %slice3A_200 = vector.extract_strided_slice %sub3A_18 {offsets = [2944, 0], sizes = [128, 768], strides = [1, 1]} : vector<8192x768xf32> to vector<128x768xf32>
    %add3A_201 = arith.constant 2944 : i32
    %add3A_202 = vector.broadcast %add3A_201 : i32 to vector<128x768xi32>
    %add3A_203 = arith.addi %iota3A, %add3A_202 : vector<128x768xi32>
    %gt3A_204 = arith.cmpf ogt, %slice3A_200, %select_n3A_198 : vector<128x768xf32>
    %select_n3A_205 = arith.select %gt3A_204, %slice3A_200, %select_n3A_198 : vector<128x768xi1>, vector<128x768xf32>
    %select_n3A_206 = arith.select %gt3A_204, %add3A_203, %select_n3A_199 : vector<128x768xi1>, vector<128x768xi32>
    %slice3A_207 = vector.extract_strided_slice %sub3A_18 {offsets = [3072, 0], sizes = [128, 768], strides = [1, 1]} : vector<8192x768xf32> to vector<128x768xf32>
    %add3A_208 = arith.constant 3072 : i32
    %add3A_209 = vector.broadcast %add3A_208 : i32 to vector<128x768xi32>
    %add3A_210 = arith.addi %iota3A, %add3A_209 : vector<128x768xi32>
    %gt3A_211 = arith.cmpf ogt, %slice3A_207, %select_n3A_205 : vector<128x768xf32>
    %select_n3A_212 = arith.select %gt3A_211, %slice3A_207, %select_n3A_205 : vector<128x768xi1>, vector<128x768xf32>
    %select_n3A_213 = arith.select %gt3A_211, %add3A_210, %select_n3A_206 : vector<128x768xi1>, vector<128x768xi32>
    %slice3A_214 = vector.extract_strided_slice %sub3A_18 {offsets = [3200, 0], sizes = [128, 768], strides = [1, 1]} : vector<8192x768xf32> to vector<128x768xf32>
    %add3A_215 = arith.constant 3200 : i32
    %add3A_216 = vector.broadcast %add3A_215 : i32 to vector<128x768xi32>
    %add3A_217 = arith.addi %iota3A, %add3A_216 : vector<128x768xi32>
    %gt3A_218 = arith.cmpf ogt, %slice3A_214, %select_n3A_212 : vector<128x768xf32>
    %select_n3A_219 = arith.select %gt3A_218, %slice3A_214, %select_n3A_212 : vector<128x768xi1>, vector<128x768xf32>
    %select_n3A_220 = arith.select %gt3A_218, %add3A_217, %select_n3A_213 : vector<128x768xi1>, vector<128x768xi32>
    %slice3A_221 = vector.extract_strided_slice %sub3A_18 {offsets = [3328, 0], sizes = [128, 768], strides = [1, 1]} : vector<8192x768xf32> to vector<128x768xf32>
    %add3A_222 = arith.constant 3328 : i32
    %add3A_223 = vector.broadcast %add3A_222 : i32 to vector<128x768xi32>
    %add3A_224 = arith.addi %iota3A, %add3A_223 : vector<128x768xi32>
    %gt3A_225 = arith.cmpf ogt, %slice3A_221, %select_n3A_219 : vector<128x768xf32>
    %select_n3A_226 = arith.select %gt3A_225, %slice3A_221, %select_n3A_219 : vector<128x768xi1>, vector<128x768xf32>
    %select_n3A_227 = arith.select %gt3A_225, %add3A_224, %select_n3A_220 : vector<128x768xi1>, vector<128x768xi32>
    %slice3A_228 = vector.extract_strided_slice %sub3A_18 {offsets = [3456, 0], sizes = [128, 768], strides = [1, 1]} : vector<8192x768xf32> to vector<128x768xf32>
    %add3A_229 = arith.constant 3456 : i32
    %add3A_230 = vector.broadcast %add3A_229 : i32 to vector<128x768xi32>
    %add3A_231 = arith.addi %iota3A, %add3A_230 : vector<128x768xi32>
    %gt3A_232 = arith.cmpf ogt, %slice3A_228, %select_n3A_226 : vector<128x768xf32>
    %select_n3A_233 = arith.select %gt3A_232, %slice3A_228, %select_n3A_226 : vector<128x768xi1>, vector<128x768xf32>
    %select_n3A_234 = arith.select %gt3A_232, %add3A_231, %select_n3A_227 : vector<128x768xi1>, vector<128x768xi32>
    %slice3A_235 = vector.extract_strided_slice %sub3A_18 {offsets = [3584, 0], sizes = [128, 768], strides = [1, 1]} : vector<8192x768xf32> to vector<128x768xf32>
    %add3A_236 = arith.constant 3584 : i32
    %add3A_237 = vector.broadcast %add3A_236 : i32 to vector<128x768xi32>
    %add3A_238 = arith.addi %iota3A, %add3A_237 : vector<128x768xi32>
    %gt3A_239 = arith.cmpf ogt, %slice3A_235, %select_n3A_233 : vector<128x768xf32>
    %select_n3A_240 = arith.select %gt3A_239, %slice3A_235, %select_n3A_233 : vector<128x768xi1>, vector<128x768xf32>
    %select_n3A_241 = arith.select %gt3A_239, %add3A_238, %select_n3A_234 : vector<128x768xi1>, vector<128x768xi32>
    %slice3A_242 = vector.extract_strided_slice %sub3A_18 {offsets = [3712, 0], sizes = [128, 768], strides = [1, 1]} : vector<8192x768xf32> to vector<128x768xf32>
    %add3A_243 = arith.constant 3712 : i32
    %add3A_244 = vector.broadcast %add3A_243 : i32 to vector<128x768xi32>
    %add3A_245 = arith.addi %iota3A, %add3A_244 : vector<128x768xi32>
    %gt3A_246 = arith.cmpf ogt, %slice3A_242, %select_n3A_240 : vector<128x768xf32>
    %select_n3A_247 = arith.select %gt3A_246, %slice3A_242, %select_n3A_240 : vector<128x768xi1>, vector<128x768xf32>
    %select_n3A_248 = arith.select %gt3A_246, %add3A_245, %select_n3A_241 : vector<128x768xi1>, vector<128x768xi32>
    %slice3A_249 = vector.extract_strided_slice %sub3A_18 {offsets = [3840, 0], sizes = [128, 768], strides = [1, 1]} : vector<8192x768xf32> to vector<128x768xf32>
    %add3A_250 = arith.constant 3840 : i32
    %add3A_251 = vector.broadcast %add3A_250 : i32 to vector<128x768xi32>
    %add3A_252 = arith.addi %iota3A, %add3A_251 : vector<128x768xi32>
    %gt3A_253 = arith.cmpf ogt, %slice3A_249, %select_n3A_247 : vector<128x768xf32>
    %select_n3A_254 = arith.select %gt3A_253, %slice3A_249, %select_n3A_247 : vector<128x768xi1>, vector<128x768xf32>
    %select_n3A_255 = arith.select %gt3A_253, %add3A_252, %select_n3A_248 : vector<128x768xi1>, vector<128x768xi32>
    %slice3A_256 = vector.extract_strided_slice %sub3A_18 {offsets = [3968, 0], sizes = [128, 768], strides = [1, 1]} : vector<8192x768xf32> to vector<128x768xf32>
    %add3A_257 = arith.constant 3968 : i32
    %add3A_258 = vector.broadcast %add3A_257 : i32 to vector<128x768xi32>
    %add3A_259 = arith.addi %iota3A, %add3A_258 : vector<128x768xi32>
    %gt3A_260 = arith.cmpf ogt, %slice3A_256, %select_n3A_254 : vector<128x768xf32>
    %select_n3A_261 = arith.select %gt3A_260, %slice3A_256, %select_n3A_254 : vector<128x768xi1>, vector<128x768xf32>
    %select_n3A_262 = arith.select %gt3A_260, %add3A_259, %select_n3A_255 : vector<128x768xi1>, vector<128x768xi32>
    %slice3A_263 = vector.extract_strided_slice %sub3A_18 {offsets = [4096, 0], sizes = [128, 768], strides = [1, 1]} : vector<8192x768xf32> to vector<128x768xf32>
    %add3A_264 = arith.constant 4096 : i32
    %add3A_265 = vector.broadcast %add3A_264 : i32 to vector<128x768xi32>
    %add3A_266 = arith.addi %iota3A, %add3A_265 : vector<128x768xi32>
    %gt3A_267 = arith.cmpf ogt, %slice3A_263, %select_n3A_261 : vector<128x768xf32>
    %select_n3A_268 = arith.select %gt3A_267, %slice3A_263, %select_n3A_261 : vector<128x768xi1>, vector<128x768xf32>
    %select_n3A_269 = arith.select %gt3A_267, %add3A_266, %select_n3A_262 : vector<128x768xi1>, vector<128x768xi32>
    %slice3A_270 = vector.extract_strided_slice %sub3A_18 {offsets = [4224, 0], sizes = [128, 768], strides = [1, 1]} : vector<8192x768xf32> to vector<128x768xf32>
    %add3A_271 = arith.constant 4224 : i32
    %add3A_272 = vector.broadcast %add3A_271 : i32 to vector<128x768xi32>
    %add3A_273 = arith.addi %iota3A, %add3A_272 : vector<128x768xi32>
    %gt3A_274 = arith.cmpf ogt, %slice3A_270, %select_n3A_268 : vector<128x768xf32>
    %select_n3A_275 = arith.select %gt3A_274, %slice3A_270, %select_n3A_268 : vector<128x768xi1>, vector<128x768xf32>
    %select_n3A_276 = arith.select %gt3A_274, %add3A_273, %select_n3A_269 : vector<128x768xi1>, vector<128x768xi32>
    %slice3A_277 = vector.extract_strided_slice %sub3A_18 {offsets = [4352, 0], sizes = [128, 768], strides = [1, 1]} : vector<8192x768xf32> to vector<128x768xf32>
    %add3A_278 = arith.constant 4352 : i32
    %add3A_279 = vector.broadcast %add3A_278 : i32 to vector<128x768xi32>
    %add3A_280 = arith.addi %iota3A, %add3A_279 : vector<128x768xi32>
    %gt3A_281 = arith.cmpf ogt, %slice3A_277, %select_n3A_275 : vector<128x768xf32>
    %select_n3A_282 = arith.select %gt3A_281, %slice3A_277, %select_n3A_275 : vector<128x768xi1>, vector<128x768xf32>
    %select_n3A_283 = arith.select %gt3A_281, %add3A_280, %select_n3A_276 : vector<128x768xi1>, vector<128x768xi32>
    %slice3A_284 = vector.extract_strided_slice %sub3A_18 {offsets = [4480, 0], sizes = [128, 768], strides = [1, 1]} : vector<8192x768xf32> to vector<128x768xf32>
    %add3A_285 = arith.constant 4480 : i32
    %add3A_286 = vector.broadcast %add3A_285 : i32 to vector<128x768xi32>
    %add3A_287 = arith.addi %iota3A, %add3A_286 : vector<128x768xi32>
    %gt3A_288 = arith.cmpf ogt, %slice3A_284, %select_n3A_282 : vector<128x768xf32>
    %select_n3A_289 = arith.select %gt3A_288, %slice3A_284, %select_n3A_282 : vector<128x768xi1>, vector<128x768xf32>
    %select_n3A_290 = arith.select %gt3A_288, %add3A_287, %select_n3A_283 : vector<128x768xi1>, vector<128x768xi32>
    %slice3A_291 = vector.extract_strided_slice %sub3A_18 {offsets = [4608, 0], sizes = [128, 768], strides = [1, 1]} : vector<8192x768xf32> to vector<128x768xf32>
    %add3A_292 = arith.constant 4608 : i32
    %add3A_293 = vector.broadcast %add3A_292 : i32 to vector<128x768xi32>
    %add3A_294 = arith.addi %iota3A, %add3A_293 : vector<128x768xi32>
    %gt3A_295 = arith.cmpf ogt, %slice3A_291, %select_n3A_289 : vector<128x768xf32>
    %select_n3A_296 = arith.select %gt3A_295, %slice3A_291, %select_n3A_289 : vector<128x768xi1>, vector<128x768xf32>
    %select_n3A_297 = arith.select %gt3A_295, %add3A_294, %select_n3A_290 : vector<128x768xi1>, vector<128x768xi32>
    %slice3A_298 = vector.extract_strided_slice %sub3A_18 {offsets = [4736, 0], sizes = [128, 768], strides = [1, 1]} : vector<8192x768xf32> to vector<128x768xf32>
    %add3A_299 = arith.constant 4736 : i32
    %add3A_300 = vector.broadcast %add3A_299 : i32 to vector<128x768xi32>
    %add3A_301 = arith.addi %iota3A, %add3A_300 : vector<128x768xi32>
    %gt3A_302 = arith.cmpf ogt, %slice3A_298, %select_n3A_296 : vector<128x768xf32>
    %select_n3A_303 = arith.select %gt3A_302, %slice3A_298, %select_n3A_296 : vector<128x768xi1>, vector<128x768xf32>
    %select_n3A_304 = arith.select %gt3A_302, %add3A_301, %select_n3A_297 : vector<128x768xi1>, vector<128x768xi32>
    %slice3A_305 = vector.extract_strided_slice %sub3A_18 {offsets = [4864, 0], sizes = [128, 768], strides = [1, 1]} : vector<8192x768xf32> to vector<128x768xf32>
    %add3A_306 = arith.constant 4864 : i32
    %add3A_307 = vector.broadcast %add3A_306 : i32 to vector<128x768xi32>
    %add3A_308 = arith.addi %iota3A, %add3A_307 : vector<128x768xi32>
    %gt3A_309 = arith.cmpf ogt, %slice3A_305, %select_n3A_303 : vector<128x768xf32>
    %select_n3A_310 = arith.select %gt3A_309, %slice3A_305, %select_n3A_303 : vector<128x768xi1>, vector<128x768xf32>
    %select_n3A_311 = arith.select %gt3A_309, %add3A_308, %select_n3A_304 : vector<128x768xi1>, vector<128x768xi32>
    %slice3A_312 = vector.extract_strided_slice %sub3A_18 {offsets = [4992, 0], sizes = [128, 768], strides = [1, 1]} : vector<8192x768xf32> to vector<128x768xf32>
    %add3A_313 = arith.constant 4992 : i32
    %add3A_314 = vector.broadcast %add3A_313 : i32 to vector<128x768xi32>
    %add3A_315 = arith.addi %iota3A, %add3A_314 : vector<128x768xi32>
    %gt3A_316 = arith.cmpf ogt, %slice3A_312, %select_n3A_310 : vector<128x768xf32>
    %select_n3A_317 = arith.select %gt3A_316, %slice3A_312, %select_n3A_310 : vector<128x768xi1>, vector<128x768xf32>
    %select_n3A_318 = arith.select %gt3A_316, %add3A_315, %select_n3A_311 : vector<128x768xi1>, vector<128x768xi32>
    %slice3A_319 = vector.extract_strided_slice %sub3A_18 {offsets = [5120, 0], sizes = [128, 768], strides = [1, 1]} : vector<8192x768xf32> to vector<128x768xf32>
    %add3A_320 = arith.constant 5120 : i32
    %add3A_321 = vector.broadcast %add3A_320 : i32 to vector<128x768xi32>
    %add3A_322 = arith.addi %iota3A, %add3A_321 : vector<128x768xi32>
    %gt3A_323 = arith.cmpf ogt, %slice3A_319, %select_n3A_317 : vector<128x768xf32>
    %select_n3A_324 = arith.select %gt3A_323, %slice3A_319, %select_n3A_317 : vector<128x768xi1>, vector<128x768xf32>
    %select_n3A_325 = arith.select %gt3A_323, %add3A_322, %select_n3A_318 : vector<128x768xi1>, vector<128x768xi32>
    %slice3A_326 = vector.extract_strided_slice %sub3A_18 {offsets = [5248, 0], sizes = [128, 768], strides = [1, 1]} : vector<8192x768xf32> to vector<128x768xf32>
    %add3A_327 = arith.constant 5248 : i32
    %add3A_328 = vector.broadcast %add3A_327 : i32 to vector<128x768xi32>
    %add3A_329 = arith.addi %iota3A, %add3A_328 : vector<128x768xi32>
    %gt3A_330 = arith.cmpf ogt, %slice3A_326, %select_n3A_324 : vector<128x768xf32>
    %select_n3A_331 = arith.select %gt3A_330, %slice3A_326, %select_n3A_324 : vector<128x768xi1>, vector<128x768xf32>
    %select_n3A_332 = arith.select %gt3A_330, %add3A_329, %select_n3A_325 : vector<128x768xi1>, vector<128x768xi32>
    %slice3A_333 = vector.extract_strided_slice %sub3A_18 {offsets = [5376, 0], sizes = [128, 768], strides = [1, 1]} : vector<8192x768xf32> to vector<128x768xf32>
    %add3A_334 = arith.constant 5376 : i32
    %add3A_335 = vector.broadcast %add3A_334 : i32 to vector<128x768xi32>
    %add3A_336 = arith.addi %iota3A, %add3A_335 : vector<128x768xi32>
    %ge3A_337 = arith.constant 2736 : i32
    %ge3A_338 = vector.broadcast %ge3A_337 : i32 to vector<128x768xi32>
    %ge3A_339 = arith.cmpi sge, %add3A_336, %ge3A_338 : vector<128x768xi32>
    %lt3A_340 = arith.constant 5472 : i32
    %lt3A_341 = vector.broadcast %lt3A_340 : i32 to vector<128x768xi32>
    %lt3A_342 = arith.cmpi slt, %add3A_336, %lt3A_341 : vector<128x768xi32>
    %and3A_343 = arith.andi %ge3A_339, %lt3A_342 : vector<128x768xi1>
    %select_n3A_344 = arith.select %and3A_343, %slice3A_333, %broadcast_in_dim3A_20 : vector<128x768xi1>, vector<128x768xf32>
    %gt3A_345 = arith.cmpf ogt, %select_n3A_344, %select_n3A_331 : vector<128x768xf32>
    %select_n3A_346 = arith.select %gt3A_345, %select_n3A_344, %select_n3A_331 : vector<128x768xi1>, vector<128x768xf32>
    %select_n3A_347 = arith.select %gt3A_345, %add3A_336, %select_n3A_332 : vector<128x768xi1>, vector<128x768xi32>
    %ge3A_348 = arith.constant 5472 : i32
    %ge3A_349 = vector.broadcast %ge3A_348 : i32 to vector<128x768xi32>
    %ge3A_350 = arith.cmpi sge, %add3A_336, %ge3A_349 : vector<128x768xi32>
    %lt3A_351 = arith.constant 8192 : i32
    %lt3A_352 = vector.broadcast %lt3A_351 : i32 to vector<128x768xi32>
    %lt3A_353 = arith.cmpi slt, %add3A_336, %lt3A_352 : vector<128x768xi32>
    %and3A_354 = arith.andi %ge3A_350, %lt3A_353 : vector<128x768xi1>
    %select_n3A_355 = arith.select %and3A_354, %slice3A_333, %broadcast_in_dim3A_20 : vector<128x768xi1>, vector<128x768xf32>
    %gt3A_356 = arith.cmpf ogt, %select_n3A_355, %broadcast_in_dim3A_20 : vector<128x768xf32>
    %select_n3A_357 = arith.select %gt3A_356, %select_n3A_355, %broadcast_in_dim3A_20 : vector<128x768xi1>, vector<128x768xf32>
    %select_n3A_358 = arith.select %gt3A_356, %add3A_336, %broadcast_in_dim3A_26 : vector<128x768xi1>, vector<128x768xi32>
    %slice3A_359 = vector.extract_strided_slice %sub3A_18 {offsets = [5504, 0], sizes = [128, 768], strides = [1, 1]} : vector<8192x768xf32> to vector<128x768xf32>
    %add3A_360 = arith.constant 5504 : i32
    %add3A_361 = vector.broadcast %add3A_360 : i32 to vector<128x768xi32>
    %add3A_362 = arith.addi %iota3A, %add3A_361 : vector<128x768xi32>
    %gt3A_363 = arith.cmpf ogt, %slice3A_359, %select_n3A_357 : vector<128x768xf32>
    %select_n3A_364 = arith.select %gt3A_363, %slice3A_359, %select_n3A_357 : vector<128x768xi1>, vector<128x768xf32>
    %select_n3A_365 = arith.select %gt3A_363, %add3A_362, %select_n3A_358 : vector<128x768xi1>, vector<128x768xi32>
    %slice3A_366 = vector.extract_strided_slice %sub3A_18 {offsets = [5632, 0], sizes = [128, 768], strides = [1, 1]} : vector<8192x768xf32> to vector<128x768xf32>
    %add3A_367 = arith.constant 5632 : i32
    %add3A_368 = vector.broadcast %add3A_367 : i32 to vector<128x768xi32>
    %add3A_369 = arith.addi %iota3A, %add3A_368 : vector<128x768xi32>
    %gt3A_370 = arith.cmpf ogt, %slice3A_366, %select_n3A_364 : vector<128x768xf32>
    %select_n3A_371 = arith.select %gt3A_370, %slice3A_366, %select_n3A_364 : vector<128x768xi1>, vector<128x768xf32>
    %select_n3A_372 = arith.select %gt3A_370, %add3A_369, %select_n3A_365 : vector<128x768xi1>, vector<128x768xi32>
    %slice3A_373 = vector.extract_strided_slice %sub3A_18 {offsets = [5760, 0], sizes = [128, 768], strides = [1, 1]} : vector<8192x768xf32> to vector<128x768xf32>
    %add3A_374 = arith.constant 5760 : i32
    %add3A_375 = vector.broadcast %add3A_374 : i32 to vector<128x768xi32>
    %add3A_376 = arith.addi %iota3A, %add3A_375 : vector<128x768xi32>
    %gt3A_377 = arith.cmpf ogt, %slice3A_373, %select_n3A_371 : vector<128x768xf32>
    %select_n3A_378 = arith.select %gt3A_377, %slice3A_373, %select_n3A_371 : vector<128x768xi1>, vector<128x768xf32>
    %select_n3A_379 = arith.select %gt3A_377, %add3A_376, %select_n3A_372 : vector<128x768xi1>, vector<128x768xi32>
    %slice3A_380 = vector.extract_strided_slice %sub3A_18 {offsets = [5888, 0], sizes = [128, 768], strides = [1, 1]} : vector<8192x768xf32> to vector<128x768xf32>
    %add3A_381 = arith.constant 5888 : i32
    %add3A_382 = vector.broadcast %add3A_381 : i32 to vector<128x768xi32>
    %add3A_383 = arith.addi %iota3A, %add3A_382 : vector<128x768xi32>
    %gt3A_384 = arith.cmpf ogt, %slice3A_380, %select_n3A_378 : vector<128x768xf32>
    %select_n3A_385 = arith.select %gt3A_384, %slice3A_380, %select_n3A_378 : vector<128x768xi1>, vector<128x768xf32>
    %select_n3A_386 = arith.select %gt3A_384, %add3A_383, %select_n3A_379 : vector<128x768xi1>, vector<128x768xi32>
    %slice3A_387 = vector.extract_strided_slice %sub3A_18 {offsets = [6016, 0], sizes = [128, 768], strides = [1, 1]} : vector<8192x768xf32> to vector<128x768xf32>
    %add3A_388 = arith.constant 6016 : i32
    %add3A_389 = vector.broadcast %add3A_388 : i32 to vector<128x768xi32>
    %add3A_390 = arith.addi %iota3A, %add3A_389 : vector<128x768xi32>
    %gt3A_391 = arith.cmpf ogt, %slice3A_387, %select_n3A_385 : vector<128x768xf32>
    %select_n3A_392 = arith.select %gt3A_391, %slice3A_387, %select_n3A_385 : vector<128x768xi1>, vector<128x768xf32>
    %select_n3A_393 = arith.select %gt3A_391, %add3A_390, %select_n3A_386 : vector<128x768xi1>, vector<128x768xi32>
    %slice3A_394 = vector.extract_strided_slice %sub3A_18 {offsets = [6144, 0], sizes = [128, 768], strides = [1, 1]} : vector<8192x768xf32> to vector<128x768xf32>
    %add3A_395 = arith.constant 6144 : i32
    %add3A_396 = vector.broadcast %add3A_395 : i32 to vector<128x768xi32>
    %add3A_397 = arith.addi %iota3A, %add3A_396 : vector<128x768xi32>
    %gt3A_398 = arith.cmpf ogt, %slice3A_394, %select_n3A_392 : vector<128x768xf32>
    %select_n3A_399 = arith.select %gt3A_398, %slice3A_394, %select_n3A_392 : vector<128x768xi1>, vector<128x768xf32>
    %select_n3A_400 = arith.select %gt3A_398, %add3A_397, %select_n3A_393 : vector<128x768xi1>, vector<128x768xi32>
    %slice3A_401 = vector.extract_strided_slice %sub3A_18 {offsets = [6272, 0], sizes = [128, 768], strides = [1, 1]} : vector<8192x768xf32> to vector<128x768xf32>
    %add3A_402 = arith.constant 6272 : i32
    %add3A_403 = vector.broadcast %add3A_402 : i32 to vector<128x768xi32>
    %add3A_404 = arith.addi %iota3A, %add3A_403 : vector<128x768xi32>
    %gt3A_405 = arith.cmpf ogt, %slice3A_401, %select_n3A_399 : vector<128x768xf32>
    %select_n3A_406 = arith.select %gt3A_405, %slice3A_401, %select_n3A_399 : vector<128x768xi1>, vector<128x768xf32>
    %select_n3A_407 = arith.select %gt3A_405, %add3A_404, %select_n3A_400 : vector<128x768xi1>, vector<128x768xi32>
    %slice3A_408 = vector.extract_strided_slice %sub3A_18 {offsets = [6400, 0], sizes = [128, 768], strides = [1, 1]} : vector<8192x768xf32> to vector<128x768xf32>
    %add3A_409 = arith.constant 6400 : i32
    %add3A_410 = vector.broadcast %add3A_409 : i32 to vector<128x768xi32>
    %add3A_411 = arith.addi %iota3A, %add3A_410 : vector<128x768xi32>
    %gt3A_412 = arith.cmpf ogt, %slice3A_408, %select_n3A_406 : vector<128x768xf32>
    %select_n3A_413 = arith.select %gt3A_412, %slice3A_408, %select_n3A_406 : vector<128x768xi1>, vector<128x768xf32>
    %select_n3A_414 = arith.select %gt3A_412, %add3A_411, %select_n3A_407 : vector<128x768xi1>, vector<128x768xi32>
    %slice3A_415 = vector.extract_strided_slice %sub3A_18 {offsets = [6528, 0], sizes = [128, 768], strides = [1, 1]} : vector<8192x768xf32> to vector<128x768xf32>
    %add3A_416 = arith.constant 6528 : i32
    %add3A_417 = vector.broadcast %add3A_416 : i32 to vector<128x768xi32>
    %add3A_418 = arith.addi %iota3A, %add3A_417 : vector<128x768xi32>
    %gt3A_419 = arith.cmpf ogt, %slice3A_415, %select_n3A_413 : vector<128x768xf32>
    %select_n3A_420 = arith.select %gt3A_419, %slice3A_415, %select_n3A_413 : vector<128x768xi1>, vector<128x768xf32>
    %select_n3A_421 = arith.select %gt3A_419, %add3A_418, %select_n3A_414 : vector<128x768xi1>, vector<128x768xi32>
    %slice3A_422 = vector.extract_strided_slice %sub3A_18 {offsets = [6656, 0], sizes = [128, 768], strides = [1, 1]} : vector<8192x768xf32> to vector<128x768xf32>
    %add3A_423 = arith.constant 6656 : i32
    %add3A_424 = vector.broadcast %add3A_423 : i32 to vector<128x768xi32>
    %add3A_425 = arith.addi %iota3A, %add3A_424 : vector<128x768xi32>
    %gt3A_426 = arith.cmpf ogt, %slice3A_422, %select_n3A_420 : vector<128x768xf32>
    %select_n3A_427 = arith.select %gt3A_426, %slice3A_422, %select_n3A_420 : vector<128x768xi1>, vector<128x768xf32>
    %select_n3A_428 = arith.select %gt3A_426, %add3A_425, %select_n3A_421 : vector<128x768xi1>, vector<128x768xi32>
    %slice3A_429 = vector.extract_strided_slice %sub3A_18 {offsets = [6784, 0], sizes = [128, 768], strides = [1, 1]} : vector<8192x768xf32> to vector<128x768xf32>
    %add3A_430 = arith.constant 6784 : i32
    %add3A_431 = vector.broadcast %add3A_430 : i32 to vector<128x768xi32>
    %add3A_432 = arith.addi %iota3A, %add3A_431 : vector<128x768xi32>
    %gt3A_433 = arith.cmpf ogt, %slice3A_429, %select_n3A_427 : vector<128x768xf32>
    %select_n3A_434 = arith.select %gt3A_433, %slice3A_429, %select_n3A_427 : vector<128x768xi1>, vector<128x768xf32>
    %select_n3A_435 = arith.select %gt3A_433, %add3A_432, %select_n3A_428 : vector<128x768xi1>, vector<128x768xi32>
    %slice3A_436 = vector.extract_strided_slice %sub3A_18 {offsets = [6912, 0], sizes = [128, 768], strides = [1, 1]} : vector<8192x768xf32> to vector<128x768xf32>
    %add3A_437 = arith.constant 6912 : i32
    %add3A_438 = vector.broadcast %add3A_437 : i32 to vector<128x768xi32>
    %add3A_439 = arith.addi %iota3A, %add3A_438 : vector<128x768xi32>
    %gt3A_440 = arith.cmpf ogt, %slice3A_436, %select_n3A_434 : vector<128x768xf32>
    %select_n3A_441 = arith.select %gt3A_440, %slice3A_436, %select_n3A_434 : vector<128x768xi1>, vector<128x768xf32>
    %select_n3A_442 = arith.select %gt3A_440, %add3A_439, %select_n3A_435 : vector<128x768xi1>, vector<128x768xi32>
    %slice3A_443 = vector.extract_strided_slice %sub3A_18 {offsets = [7040, 0], sizes = [128, 768], strides = [1, 1]} : vector<8192x768xf32> to vector<128x768xf32>
    %add3A_444 = arith.constant 7040 : i32
    %add3A_445 = vector.broadcast %add3A_444 : i32 to vector<128x768xi32>
    %add3A_446 = arith.addi %iota3A, %add3A_445 : vector<128x768xi32>
    %gt3A_447 = arith.cmpf ogt, %slice3A_443, %select_n3A_441 : vector<128x768xf32>
    %select_n3A_448 = arith.select %gt3A_447, %slice3A_443, %select_n3A_441 : vector<128x768xi1>, vector<128x768xf32>
    %select_n3A_449 = arith.select %gt3A_447, %add3A_446, %select_n3A_442 : vector<128x768xi1>, vector<128x768xi32>
    %slice3A_450 = vector.extract_strided_slice %sub3A_18 {offsets = [7168, 0], sizes = [128, 768], strides = [1, 1]} : vector<8192x768xf32> to vector<128x768xf32>
    %add3A_451 = arith.constant 7168 : i32
    %add3A_452 = vector.broadcast %add3A_451 : i32 to vector<128x768xi32>
    %add3A_453 = arith.addi %iota3A, %add3A_452 : vector<128x768xi32>
    %gt3A_454 = arith.cmpf ogt, %slice3A_450, %select_n3A_448 : vector<128x768xf32>
    %select_n3A_455 = arith.select %gt3A_454, %slice3A_450, %select_n3A_448 : vector<128x768xi1>, vector<128x768xf32>
    %select_n3A_456 = arith.select %gt3A_454, %add3A_453, %select_n3A_449 : vector<128x768xi1>, vector<128x768xi32>
    %slice3A_457 = vector.extract_strided_slice %sub3A_18 {offsets = [7296, 0], sizes = [128, 768], strides = [1, 1]} : vector<8192x768xf32> to vector<128x768xf32>
    %add3A_458 = arith.constant 7296 : i32
    %add3A_459 = vector.broadcast %add3A_458 : i32 to vector<128x768xi32>
    %add3A_460 = arith.addi %iota3A, %add3A_459 : vector<128x768xi32>
    %gt3A_461 = arith.cmpf ogt, %slice3A_457, %select_n3A_455 : vector<128x768xf32>
    %select_n3A_462 = arith.select %gt3A_461, %slice3A_457, %select_n3A_455 : vector<128x768xi1>, vector<128x768xf32>
    %select_n3A_463 = arith.select %gt3A_461, %add3A_460, %select_n3A_456 : vector<128x768xi1>, vector<128x768xi32>
    %slice3A_464 = vector.extract_strided_slice %sub3A_18 {offsets = [7424, 0], sizes = [128, 768], strides = [1, 1]} : vector<8192x768xf32> to vector<128x768xf32>
    %add3A_465 = arith.constant 7424 : i32
    %add3A_466 = vector.broadcast %add3A_465 : i32 to vector<128x768xi32>
    %add3A_467 = arith.addi %iota3A, %add3A_466 : vector<128x768xi32>
    %gt3A_468 = arith.cmpf ogt, %slice3A_464, %select_n3A_462 : vector<128x768xf32>
    %select_n3A_469 = arith.select %gt3A_468, %slice3A_464, %select_n3A_462 : vector<128x768xi1>, vector<128x768xf32>
    %select_n3A_470 = arith.select %gt3A_468, %add3A_467, %select_n3A_463 : vector<128x768xi1>, vector<128x768xi32>
    %slice3A_471 = vector.extract_strided_slice %sub3A_18 {offsets = [7552, 0], sizes = [128, 768], strides = [1, 1]} : vector<8192x768xf32> to vector<128x768xf32>
    %add3A_472 = arith.constant 7552 : i32
    %add3A_473 = vector.broadcast %add3A_472 : i32 to vector<128x768xi32>
    %add3A_474 = arith.addi %iota3A, %add3A_473 : vector<128x768xi32>
    %gt3A_475 = arith.cmpf ogt, %slice3A_471, %select_n3A_469 : vector<128x768xf32>
    %select_n3A_476 = arith.select %gt3A_475, %slice3A_471, %select_n3A_469 : vector<128x768xi1>, vector<128x768xf32>
    %select_n3A_477 = arith.select %gt3A_475, %add3A_474, %select_n3A_470 : vector<128x768xi1>, vector<128x768xi32>
    %slice3A_478 = vector.extract_strided_slice %sub3A_18 {offsets = [7680, 0], sizes = [128, 768], strides = [1, 1]} : vector<8192x768xf32> to vector<128x768xf32>
    %add3A_479 = arith.constant 7680 : i32
    %add3A_480 = vector.broadcast %add3A_479 : i32 to vector<128x768xi32>
    %add3A_481 = arith.addi %iota3A, %add3A_480 : vector<128x768xi32>
    %gt3A_482 = arith.cmpf ogt, %slice3A_478, %select_n3A_476 : vector<128x768xf32>
    %select_n3A_483 = arith.select %gt3A_482, %slice3A_478, %select_n3A_476 : vector<128x768xi1>, vector<128x768xf32>
    %select_n3A_484 = arith.select %gt3A_482, %add3A_481, %select_n3A_477 : vector<128x768xi1>, vector<128x768xi32>
    %slice3A_485 = vector.extract_strided_slice %sub3A_18 {offsets = [7808, 0], sizes = [128, 768], strides = [1, 1]} : vector<8192x768xf32> to vector<128x768xf32>
    %add3A_486 = arith.constant 7808 : i32
    %add3A_487 = vector.broadcast %add3A_486 : i32 to vector<128x768xi32>
    %add3A_488 = arith.addi %iota3A, %add3A_487 : vector<128x768xi32>
    %gt3A_489 = arith.cmpf ogt, %slice3A_485, %select_n3A_483 : vector<128x768xf32>
    %select_n3A_490 = arith.select %gt3A_489, %slice3A_485, %select_n3A_483 : vector<128x768xi1>, vector<128x768xf32>
    %select_n3A_491 = arith.select %gt3A_489, %add3A_488, %select_n3A_484 : vector<128x768xi1>, vector<128x768xi32>
    %slice3A_492 = vector.extract_strided_slice %sub3A_18 {offsets = [7936, 0], sizes = [128, 768], strides = [1, 1]} : vector<8192x768xf32> to vector<128x768xf32>
    %add3A_493 = arith.constant 7936 : i32
    %add3A_494 = vector.broadcast %add3A_493 : i32 to vector<128x768xi32>
    %add3A_495 = arith.addi %iota3A, %add3A_494 : vector<128x768xi32>
    %gt3A_496 = arith.cmpf ogt, %slice3A_492, %select_n3A_490 : vector<128x768xf32>
    %select_n3A_497 = arith.select %gt3A_496, %slice3A_492, %select_n3A_490 : vector<128x768xi1>, vector<128x768xf32>
    %select_n3A_498 = arith.select %gt3A_496, %add3A_495, %select_n3A_491 : vector<128x768xi1>, vector<128x768xi32>
    %slice3A_499 = vector.extract_strided_slice %sub3A_18 {offsets = [8064, 0], sizes = [128, 768], strides = [1, 1]} : vector<8192x768xf32> to vector<128x768xf32>
    %add3A_500 = arith.constant 8064 : i32
    %add3A_501 = vector.broadcast %add3A_500 : i32 to vector<128x768xi32>
    %add3A_502 = arith.addi %iota3A, %add3A_501 : vector<128x768xi32>
    %gt3A_503 = arith.cmpf ogt, %slice3A_499, %select_n3A_497 : vector<128x768xf32>
    %select_n3A_504 = arith.select %gt3A_503, %slice3A_499, %select_n3A_497 : vector<128x768xi1>, vector<128x768xf32>
    %select_n3A_505 = arith.select %gt3A_503, %add3A_502, %select_n3A_498 : vector<128x768xi1>, vector<128x768xi32>
    %slice3A_506 = vector.extract_strided_slice %select_n3A_180 {offsets = [0, 0], sizes = [64, 768], strides = [1, 1]} : vector<128x768xf32> to vector<64x768xf32>
    %slice3A_507 = vector.extract_strided_slice %select_n3A_180 {offsets = [64, 0], sizes = [64, 768], strides = [1, 1]} : vector<128x768xf32> to vector<64x768xf32>
    %slice3A_508 = vector.extract_strided_slice %select_n3A_181 {offsets = [0, 0], sizes = [64, 768], strides = [1, 1]} : vector<128x768xi32> to vector<64x768xi32>
    %slice3A_509 = vector.extract_strided_slice %select_n3A_181 {offsets = [64, 0], sizes = [64, 768], strides = [1, 1]} : vector<128x768xi32> to vector<64x768xi32>
    %gt3A_510 = arith.cmpf ogt, %slice3A_507, %slice3A_506 : vector<64x768xf32>
    %eq3A_511 = arith.cmpf oeq, %slice3A_507, %slice3A_506 : vector<64x768xf32>
    %lt3A_512 = arith.cmpi slt, %slice3A_509, %slice3A_508 : vector<64x768xi32>
    %and3A_513 = arith.andi %eq3A_511, %lt3A_512 : vector<64x768xi1>
    %or3A = arith.ori %gt3A_510, %and3A_513 : vector<64x768xi1>
    %select_n3A_514 = arith.select %or3A, %slice3A_507, %slice3A_506 : vector<64x768xi1>, vector<64x768xf32>
    %select_n3A_515 = arith.select %or3A, %slice3A_509, %slice3A_508 : vector<64x768xi1>, vector<64x768xi32>
    %slice3A_516 = vector.extract_strided_slice %select_n3A_514 {offsets = [0, 0], sizes = [32, 768], strides = [1, 1]} : vector<64x768xf32> to vector<32x768xf32>
    %slice3A_517 = vector.extract_strided_slice %select_n3A_514 {offsets = [32, 0], sizes = [32, 768], strides = [1, 1]} : vector<64x768xf32> to vector<32x768xf32>
    %slice3A_518 = vector.extract_strided_slice %select_n3A_515 {offsets = [0, 0], sizes = [32, 768], strides = [1, 1]} : vector<64x768xi32> to vector<32x768xi32>
    %slice3A_519 = vector.extract_strided_slice %select_n3A_515 {offsets = [32, 0], sizes = [32, 768], strides = [1, 1]} : vector<64x768xi32> to vector<32x768xi32>
    %gt3A_520 = arith.cmpf ogt, %slice3A_517, %slice3A_516 : vector<32x768xf32>
    %eq3A_521 = arith.cmpf oeq, %slice3A_517, %slice3A_516 : vector<32x768xf32>
    %lt3A_522 = arith.cmpi slt, %slice3A_519, %slice3A_518 : vector<32x768xi32>
    %and3A_523 = arith.andi %eq3A_521, %lt3A_522 : vector<32x768xi1>
    %or3A_524 = arith.ori %gt3A_520, %and3A_523 : vector<32x768xi1>
    %select_n3A_525 = arith.select %or3A_524, %slice3A_517, %slice3A_516 : vector<32x768xi1>, vector<32x768xf32>
    %select_n3A_526 = arith.select %or3A_524, %slice3A_519, %slice3A_518 : vector<32x768xi1>, vector<32x768xi32>
    %slice3A_527 = vector.extract_strided_slice %select_n3A_525 {offsets = [0, 0], sizes = [16, 768], strides = [1, 1]} : vector<32x768xf32> to vector<16x768xf32>
    %slice3A_528 = vector.extract_strided_slice %select_n3A_525 {offsets = [16, 0], sizes = [16, 768], strides = [1, 1]} : vector<32x768xf32> to vector<16x768xf32>
    %slice3A_529 = vector.extract_strided_slice %select_n3A_526 {offsets = [0, 0], sizes = [16, 768], strides = [1, 1]} : vector<32x768xi32> to vector<16x768xi32>
    %slice3A_530 = vector.extract_strided_slice %select_n3A_526 {offsets = [16, 0], sizes = [16, 768], strides = [1, 1]} : vector<32x768xi32> to vector<16x768xi32>
    %gt3A_531 = arith.cmpf ogt, %slice3A_528, %slice3A_527 : vector<16x768xf32>
    %eq3A_532 = arith.cmpf oeq, %slice3A_528, %slice3A_527 : vector<16x768xf32>
    %lt3A_533 = arith.cmpi slt, %slice3A_530, %slice3A_529 : vector<16x768xi32>
    %and3A_534 = arith.andi %eq3A_532, %lt3A_533 : vector<16x768xi1>
    %or3A_535 = arith.ori %gt3A_531, %and3A_534 : vector<16x768xi1>
    %select_n3A_536 = arith.select %or3A_535, %slice3A_528, %slice3A_527 : vector<16x768xi1>, vector<16x768xf32>
    %select_n3A_537 = arith.select %or3A_535, %slice3A_530, %slice3A_529 : vector<16x768xi1>, vector<16x768xi32>
    %slice3A_538 = vector.extract_strided_slice %select_n3A_536 {offsets = [0, 0], sizes = [8, 768], strides = [1, 1]} : vector<16x768xf32> to vector<8x768xf32>
    %slice3A_539 = vector.extract_strided_slice %select_n3A_536 {offsets = [8, 0], sizes = [8, 768], strides = [1, 1]} : vector<16x768xf32> to vector<8x768xf32>
    %slice3A_540 = vector.extract_strided_slice %select_n3A_537 {offsets = [0, 0], sizes = [8, 768], strides = [1, 1]} : vector<16x768xi32> to vector<8x768xi32>
    %slice3A_541 = vector.extract_strided_slice %select_n3A_537 {offsets = [8, 0], sizes = [8, 768], strides = [1, 1]} : vector<16x768xi32> to vector<8x768xi32>
    %gt3A_542 = arith.cmpf ogt, %slice3A_539, %slice3A_538 : vector<8x768xf32>
    %eq3A_543 = arith.cmpf oeq, %slice3A_539, %slice3A_538 : vector<8x768xf32>
    %lt3A_544 = arith.cmpi slt, %slice3A_541, %slice3A_540 : vector<8x768xi32>
    %and3A_545 = arith.andi %eq3A_543, %lt3A_544 : vector<8x768xi1>
    %or3A_546 = arith.ori %gt3A_542, %and3A_545 : vector<8x768xi1>
    %select_n3A_547 = arith.select %or3A_546, %slice3A_539, %slice3A_538 : vector<8x768xi1>, vector<8x768xf32>
    %select_n3A_548 = arith.select %or3A_546, %slice3A_541, %slice3A_540 : vector<8x768xi1>, vector<8x768xi32>
    %slice3A_549 = vector.extract_strided_slice %select_n3A_547 {offsets = [0, 0], sizes = [4, 768], strides = [1, 1]} : vector<8x768xf32> to vector<4x768xf32>
    %slice3A_550 = vector.extract_strided_slice %select_n3A_547 {offsets = [4, 0], sizes = [4, 768], strides = [1, 1]} : vector<8x768xf32> to vector<4x768xf32>
    %slice3A_551 = vector.extract_strided_slice %select_n3A_548 {offsets = [0, 0], sizes = [4, 768], strides = [1, 1]} : vector<8x768xi32> to vector<4x768xi32>
    %slice3A_552 = vector.extract_strided_slice %select_n3A_548 {offsets = [4, 0], sizes = [4, 768], strides = [1, 1]} : vector<8x768xi32> to vector<4x768xi32>
    %gt3A_553 = arith.cmpf ogt, %slice3A_550, %slice3A_549 : vector<4x768xf32>
    %eq3A_554 = arith.cmpf oeq, %slice3A_550, %slice3A_549 : vector<4x768xf32>
    %lt3A_555 = arith.cmpi slt, %slice3A_552, %slice3A_551 : vector<4x768xi32>
    %and3A_556 = arith.andi %eq3A_554, %lt3A_555 : vector<4x768xi1>
    %or3A_557 = arith.ori %gt3A_553, %and3A_556 : vector<4x768xi1>
    %select_n3A_558 = arith.select %or3A_557, %slice3A_550, %slice3A_549 : vector<4x768xi1>, vector<4x768xf32>
    %select_n3A_559 = arith.select %or3A_557, %slice3A_552, %slice3A_551 : vector<4x768xi1>, vector<4x768xi32>
    %slice3A_560 = vector.extract_strided_slice %select_n3A_558 {offsets = [0, 0], sizes = [2, 768], strides = [1, 1]} : vector<4x768xf32> to vector<2x768xf32>
    %slice3A_561 = vector.extract_strided_slice %select_n3A_558 {offsets = [2, 0], sizes = [2, 768], strides = [1, 1]} : vector<4x768xf32> to vector<2x768xf32>
    %slice3A_562 = vector.extract_strided_slice %select_n3A_559 {offsets = [0, 0], sizes = [2, 768], strides = [1, 1]} : vector<4x768xi32> to vector<2x768xi32>
    %slice3A_563 = vector.extract_strided_slice %select_n3A_559 {offsets = [2, 0], sizes = [2, 768], strides = [1, 1]} : vector<4x768xi32> to vector<2x768xi32>
    %gt3A_564 = arith.cmpf ogt, %slice3A_561, %slice3A_560 : vector<2x768xf32>
    %eq3A_565 = arith.cmpf oeq, %slice3A_561, %slice3A_560 : vector<2x768xf32>
    %lt3A_566 = arith.cmpi slt, %slice3A_563, %slice3A_562 : vector<2x768xi32>
    %and3A_567 = arith.andi %eq3A_565, %lt3A_566 : vector<2x768xi1>
    %or3A_568 = arith.ori %gt3A_564, %and3A_567 : vector<2x768xi1>
    %select_n3A_569 = arith.select %or3A_568, %slice3A_561, %slice3A_560 : vector<2x768xi1>, vector<2x768xf32>
    %select_n3A_570 = arith.select %or3A_568, %slice3A_563, %slice3A_562 : vector<2x768xi1>, vector<2x768xi32>
    %slice3A_571 = vector.extract_strided_slice %select_n3A_569 {offsets = [0, 0], sizes = [1, 768], strides = [1, 1]} : vector<2x768xf32> to vector<1x768xf32>
    %slice3A_572 = vector.extract_strided_slice %select_n3A_569 {offsets = [1, 0], sizes = [1, 768], strides = [1, 1]} : vector<2x768xf32> to vector<1x768xf32>
    %slice3A_573 = vector.extract_strided_slice %select_n3A_570 {offsets = [0, 0], sizes = [1, 768], strides = [1, 1]} : vector<2x768xi32> to vector<1x768xi32>
    %slice3A_574 = vector.extract_strided_slice %select_n3A_570 {offsets = [1, 0], sizes = [1, 768], strides = [1, 1]} : vector<2x768xi32> to vector<1x768xi32>
    %gt3A_575 = arith.cmpf ogt, %slice3A_572, %slice3A_571 : vector<1x768xf32>
    %eq3A_576 = arith.cmpf oeq, %slice3A_572, %slice3A_571 : vector<1x768xf32>
    %lt3A_577 = arith.cmpi slt, %slice3A_574, %slice3A_573 : vector<1x768xi32>
    %and3A_578 = arith.andi %eq3A_576, %lt3A_577 : vector<1x768xi1>
    %or3A_579 = arith.ori %gt3A_575, %and3A_578 : vector<1x768xi1>
    %select_n3A_580 = arith.select %or3A_579, %slice3A_572, %slice3A_571 : vector<1x768xi1>, vector<1x768xf32>
    %select_n3A_581 = arith.select %or3A_579, %slice3A_574, %slice3A_573 : vector<1x768xi1>, vector<1x768xi32>
    %slice3A_582 = vector.extract_strided_slice %select_n3A_346 {offsets = [0, 0], sizes = [64, 768], strides = [1, 1]} : vector<128x768xf32> to vector<64x768xf32>
    %slice3A_583 = vector.extract_strided_slice %select_n3A_346 {offsets = [64, 0], sizes = [64, 768], strides = [1, 1]} : vector<128x768xf32> to vector<64x768xf32>
    %slice3A_584 = vector.extract_strided_slice %select_n3A_347 {offsets = [0, 0], sizes = [64, 768], strides = [1, 1]} : vector<128x768xi32> to vector<64x768xi32>
    %slice3A_585 = vector.extract_strided_slice %select_n3A_347 {offsets = [64, 0], sizes = [64, 768], strides = [1, 1]} : vector<128x768xi32> to vector<64x768xi32>
    %gt3A_586 = arith.cmpf ogt, %slice3A_583, %slice3A_582 : vector<64x768xf32>
    %eq3A_587 = arith.cmpf oeq, %slice3A_583, %slice3A_582 : vector<64x768xf32>
    %lt3A_588 = arith.cmpi slt, %slice3A_585, %slice3A_584 : vector<64x768xi32>
    %and3A_589 = arith.andi %eq3A_587, %lt3A_588 : vector<64x768xi1>
    %or3A_590 = arith.ori %gt3A_586, %and3A_589 : vector<64x768xi1>
    %select_n3A_591 = arith.select %or3A_590, %slice3A_583, %slice3A_582 : vector<64x768xi1>, vector<64x768xf32>
    %select_n3A_592 = arith.select %or3A_590, %slice3A_585, %slice3A_584 : vector<64x768xi1>, vector<64x768xi32>
    %slice3A_593 = vector.extract_strided_slice %select_n3A_591 {offsets = [0, 0], sizes = [32, 768], strides = [1, 1]} : vector<64x768xf32> to vector<32x768xf32>
    %slice3A_594 = vector.extract_strided_slice %select_n3A_591 {offsets = [32, 0], sizes = [32, 768], strides = [1, 1]} : vector<64x768xf32> to vector<32x768xf32>
    %slice3A_595 = vector.extract_strided_slice %select_n3A_592 {offsets = [0, 0], sizes = [32, 768], strides = [1, 1]} : vector<64x768xi32> to vector<32x768xi32>
    %slice3A_596 = vector.extract_strided_slice %select_n3A_592 {offsets = [32, 0], sizes = [32, 768], strides = [1, 1]} : vector<64x768xi32> to vector<32x768xi32>
    %gt3A_597 = arith.cmpf ogt, %slice3A_594, %slice3A_593 : vector<32x768xf32>
    %eq3A_598 = arith.cmpf oeq, %slice3A_594, %slice3A_593 : vector<32x768xf32>
    %lt3A_599 = arith.cmpi slt, %slice3A_596, %slice3A_595 : vector<32x768xi32>
    %and3A_600 = arith.andi %eq3A_598, %lt3A_599 : vector<32x768xi1>
    %or3A_601 = arith.ori %gt3A_597, %and3A_600 : vector<32x768xi1>
    %select_n3A_602 = arith.select %or3A_601, %slice3A_594, %slice3A_593 : vector<32x768xi1>, vector<32x768xf32>
    %select_n3A_603 = arith.select %or3A_601, %slice3A_596, %slice3A_595 : vector<32x768xi1>, vector<32x768xi32>
    %slice3A_604 = vector.extract_strided_slice %select_n3A_602 {offsets = [0, 0], sizes = [16, 768], strides = [1, 1]} : vector<32x768xf32> to vector<16x768xf32>
    %slice3A_605 = vector.extract_strided_slice %select_n3A_602 {offsets = [16, 0], sizes = [16, 768], strides = [1, 1]} : vector<32x768xf32> to vector<16x768xf32>
    %slice3A_606 = vector.extract_strided_slice %select_n3A_603 {offsets = [0, 0], sizes = [16, 768], strides = [1, 1]} : vector<32x768xi32> to vector<16x768xi32>
    %slice3A_607 = vector.extract_strided_slice %select_n3A_603 {offsets = [16, 0], sizes = [16, 768], strides = [1, 1]} : vector<32x768xi32> to vector<16x768xi32>
    %gt3A_608 = arith.cmpf ogt, %slice3A_605, %slice3A_604 : vector<16x768xf32>
    %eq3A_609 = arith.cmpf oeq, %slice3A_605, %slice3A_604 : vector<16x768xf32>
    %lt3A_610 = arith.cmpi slt, %slice3A_607, %slice3A_606 : vector<16x768xi32>
    %and3A_611 = arith.andi %eq3A_609, %lt3A_610 : vector<16x768xi1>
    %or3A_612 = arith.ori %gt3A_608, %and3A_611 : vector<16x768xi1>
    %select_n3A_613 = arith.select %or3A_612, %slice3A_605, %slice3A_604 : vector<16x768xi1>, vector<16x768xf32>
    %select_n3A_614 = arith.select %or3A_612, %slice3A_607, %slice3A_606 : vector<16x768xi1>, vector<16x768xi32>
    %slice3A_615 = vector.extract_strided_slice %select_n3A_613 {offsets = [0, 0], sizes = [8, 768], strides = [1, 1]} : vector<16x768xf32> to vector<8x768xf32>
    %slice3A_616 = vector.extract_strided_slice %select_n3A_613 {offsets = [8, 0], sizes = [8, 768], strides = [1, 1]} : vector<16x768xf32> to vector<8x768xf32>
    %slice3A_617 = vector.extract_strided_slice %select_n3A_614 {offsets = [0, 0], sizes = [8, 768], strides = [1, 1]} : vector<16x768xi32> to vector<8x768xi32>
    %slice3A_618 = vector.extract_strided_slice %select_n3A_614 {offsets = [8, 0], sizes = [8, 768], strides = [1, 1]} : vector<16x768xi32> to vector<8x768xi32>
    %gt3A_619 = arith.cmpf ogt, %slice3A_616, %slice3A_615 : vector<8x768xf32>
    %eq3A_620 = arith.cmpf oeq, %slice3A_616, %slice3A_615 : vector<8x768xf32>
    %lt3A_621 = arith.cmpi slt, %slice3A_618, %slice3A_617 : vector<8x768xi32>
    %and3A_622 = arith.andi %eq3A_620, %lt3A_621 : vector<8x768xi1>
    %or3A_623 = arith.ori %gt3A_619, %and3A_622 : vector<8x768xi1>
    %select_n3A_624 = arith.select %or3A_623, %slice3A_616, %slice3A_615 : vector<8x768xi1>, vector<8x768xf32>
    %select_n3A_625 = arith.select %or3A_623, %slice3A_618, %slice3A_617 : vector<8x768xi1>, vector<8x768xi32>
    %slice3A_626 = vector.extract_strided_slice %select_n3A_624 {offsets = [0, 0], sizes = [4, 768], strides = [1, 1]} : vector<8x768xf32> to vector<4x768xf32>
    %slice3A_627 = vector.extract_strided_slice %select_n3A_624 {offsets = [4, 0], sizes = [4, 768], strides = [1, 1]} : vector<8x768xf32> to vector<4x768xf32>
    %slice3A_628 = vector.extract_strided_slice %select_n3A_625 {offsets = [0, 0], sizes = [4, 768], strides = [1, 1]} : vector<8x768xi32> to vector<4x768xi32>
    %slice3A_629 = vector.extract_strided_slice %select_n3A_625 {offsets = [4, 0], sizes = [4, 768], strides = [1, 1]} : vector<8x768xi32> to vector<4x768xi32>
    %gt3A_630 = arith.cmpf ogt, %slice3A_627, %slice3A_626 : vector<4x768xf32>
    %eq3A_631 = arith.cmpf oeq, %slice3A_627, %slice3A_626 : vector<4x768xf32>
    %lt3A_632 = arith.cmpi slt, %slice3A_629, %slice3A_628 : vector<4x768xi32>
    %and3A_633 = arith.andi %eq3A_631, %lt3A_632 : vector<4x768xi1>
    %or3A_634 = arith.ori %gt3A_630, %and3A_633 : vector<4x768xi1>
    %select_n3A_635 = arith.select %or3A_634, %slice3A_627, %slice3A_626 : vector<4x768xi1>, vector<4x768xf32>
    %select_n3A_636 = arith.select %or3A_634, %slice3A_629, %slice3A_628 : vector<4x768xi1>, vector<4x768xi32>
    %slice3A_637 = vector.extract_strided_slice %select_n3A_635 {offsets = [0, 0], sizes = [2, 768], strides = [1, 1]} : vector<4x768xf32> to vector<2x768xf32>
    %slice3A_638 = vector.extract_strided_slice %select_n3A_635 {offsets = [2, 0], sizes = [2, 768], strides = [1, 1]} : vector<4x768xf32> to vector<2x768xf32>
    %slice3A_639 = vector.extract_strided_slice %select_n3A_636 {offsets = [0, 0], sizes = [2, 768], strides = [1, 1]} : vector<4x768xi32> to vector<2x768xi32>
    %slice3A_640 = vector.extract_strided_slice %select_n3A_636 {offsets = [2, 0], sizes = [2, 768], strides = [1, 1]} : vector<4x768xi32> to vector<2x768xi32>
    %gt3A_641 = arith.cmpf ogt, %slice3A_638, %slice3A_637 : vector<2x768xf32>
    %eq3A_642 = arith.cmpf oeq, %slice3A_638, %slice3A_637 : vector<2x768xf32>
    %lt3A_643 = arith.cmpi slt, %slice3A_640, %slice3A_639 : vector<2x768xi32>
    %and3A_644 = arith.andi %eq3A_642, %lt3A_643 : vector<2x768xi1>
    %or3A_645 = arith.ori %gt3A_641, %and3A_644 : vector<2x768xi1>
    %select_n3A_646 = arith.select %or3A_645, %slice3A_638, %slice3A_637 : vector<2x768xi1>, vector<2x768xf32>
    %select_n3A_647 = arith.select %or3A_645, %slice3A_640, %slice3A_639 : vector<2x768xi1>, vector<2x768xi32>
    %slice3A_648 = vector.extract_strided_slice %select_n3A_646 {offsets = [0, 0], sizes = [1, 768], strides = [1, 1]} : vector<2x768xf32> to vector<1x768xf32>
    %slice3A_649 = vector.extract_strided_slice %select_n3A_646 {offsets = [1, 0], sizes = [1, 768], strides = [1, 1]} : vector<2x768xf32> to vector<1x768xf32>
    %slice3A_650 = vector.extract_strided_slice %select_n3A_647 {offsets = [0, 0], sizes = [1, 768], strides = [1, 1]} : vector<2x768xi32> to vector<1x768xi32>
    %slice3A_651 = vector.extract_strided_slice %select_n3A_647 {offsets = [1, 0], sizes = [1, 768], strides = [1, 1]} : vector<2x768xi32> to vector<1x768xi32>
    %gt3A_652 = arith.cmpf ogt, %slice3A_649, %slice3A_648 : vector<1x768xf32>
    %eq3A_653 = arith.cmpf oeq, %slice3A_649, %slice3A_648 : vector<1x768xf32>
    %lt3A_654 = arith.cmpi slt, %slice3A_651, %slice3A_650 : vector<1x768xi32>
    %and3A_655 = arith.andi %eq3A_653, %lt3A_654 : vector<1x768xi1>
    %or3A_656 = arith.ori %gt3A_652, %and3A_655 : vector<1x768xi1>
    %select_n3A_657 = arith.select %or3A_656, %slice3A_649, %slice3A_648 : vector<1x768xi1>, vector<1x768xf32>
    %select_n3A_658 = arith.select %or3A_656, %slice3A_651, %slice3A_650 : vector<1x768xi1>, vector<1x768xi32>
    %slice3A_659 = vector.extract_strided_slice %select_n3A_504 {offsets = [0, 0], sizes = [64, 768], strides = [1, 1]} : vector<128x768xf32> to vector<64x768xf32>
    %slice3A_660 = vector.extract_strided_slice %select_n3A_504 {offsets = [64, 0], sizes = [64, 768], strides = [1, 1]} : vector<128x768xf32> to vector<64x768xf32>
    %slice3A_661 = vector.extract_strided_slice %select_n3A_505 {offsets = [0, 0], sizes = [64, 768], strides = [1, 1]} : vector<128x768xi32> to vector<64x768xi32>
    %slice3A_662 = vector.extract_strided_slice %select_n3A_505 {offsets = [64, 0], sizes = [64, 768], strides = [1, 1]} : vector<128x768xi32> to vector<64x768xi32>
    %gt3A_663 = arith.cmpf ogt, %slice3A_660, %slice3A_659 : vector<64x768xf32>
    %eq3A_664 = arith.cmpf oeq, %slice3A_660, %slice3A_659 : vector<64x768xf32>
    %lt3A_665 = arith.cmpi slt, %slice3A_662, %slice3A_661 : vector<64x768xi32>
    %and3A_666 = arith.andi %eq3A_664, %lt3A_665 : vector<64x768xi1>
    %or3A_667 = arith.ori %gt3A_663, %and3A_666 : vector<64x768xi1>
    %select_n3A_668 = arith.select %or3A_667, %slice3A_660, %slice3A_659 : vector<64x768xi1>, vector<64x768xf32>
    %select_n3A_669 = arith.select %or3A_667, %slice3A_662, %slice3A_661 : vector<64x768xi1>, vector<64x768xi32>
    %slice3A_670 = vector.extract_strided_slice %select_n3A_668 {offsets = [0, 0], sizes = [32, 768], strides = [1, 1]} : vector<64x768xf32> to vector<32x768xf32>
    %slice3A_671 = vector.extract_strided_slice %select_n3A_668 {offsets = [32, 0], sizes = [32, 768], strides = [1, 1]} : vector<64x768xf32> to vector<32x768xf32>
    %slice3A_672 = vector.extract_strided_slice %select_n3A_669 {offsets = [0, 0], sizes = [32, 768], strides = [1, 1]} : vector<64x768xi32> to vector<32x768xi32>
    %slice3A_673 = vector.extract_strided_slice %select_n3A_669 {offsets = [32, 0], sizes = [32, 768], strides = [1, 1]} : vector<64x768xi32> to vector<32x768xi32>
    %gt3A_674 = arith.cmpf ogt, %slice3A_671, %slice3A_670 : vector<32x768xf32>
    %eq3A_675 = arith.cmpf oeq, %slice3A_671, %slice3A_670 : vector<32x768xf32>
    %lt3A_676 = arith.cmpi slt, %slice3A_673, %slice3A_672 : vector<32x768xi32>
    %and3A_677 = arith.andi %eq3A_675, %lt3A_676 : vector<32x768xi1>
    %or3A_678 = arith.ori %gt3A_674, %and3A_677 : vector<32x768xi1>
    %select_n3A_679 = arith.select %or3A_678, %slice3A_671, %slice3A_670 : vector<32x768xi1>, vector<32x768xf32>
    %select_n3A_680 = arith.select %or3A_678, %slice3A_673, %slice3A_672 : vector<32x768xi1>, vector<32x768xi32>
    %slice3A_681 = vector.extract_strided_slice %select_n3A_679 {offsets = [0, 0], sizes = [16, 768], strides = [1, 1]} : vector<32x768xf32> to vector<16x768xf32>
    %slice3A_682 = vector.extract_strided_slice %select_n3A_679 {offsets = [16, 0], sizes = [16, 768], strides = [1, 1]} : vector<32x768xf32> to vector<16x768xf32>
    %slice3A_683 = vector.extract_strided_slice %select_n3A_680 {offsets = [0, 0], sizes = [16, 768], strides = [1, 1]} : vector<32x768xi32> to vector<16x768xi32>
    %slice3A_684 = vector.extract_strided_slice %select_n3A_680 {offsets = [16, 0], sizes = [16, 768], strides = [1, 1]} : vector<32x768xi32> to vector<16x768xi32>
    %gt3A_685 = arith.cmpf ogt, %slice3A_682, %slice3A_681 : vector<16x768xf32>
    %eq3A_686 = arith.cmpf oeq, %slice3A_682, %slice3A_681 : vector<16x768xf32>
    %lt3A_687 = arith.cmpi slt, %slice3A_684, %slice3A_683 : vector<16x768xi32>
    %and3A_688 = arith.andi %eq3A_686, %lt3A_687 : vector<16x768xi1>
    %or3A_689 = arith.ori %gt3A_685, %and3A_688 : vector<16x768xi1>
    %select_n3A_690 = arith.select %or3A_689, %slice3A_682, %slice3A_681 : vector<16x768xi1>, vector<16x768xf32>
    %select_n3A_691 = arith.select %or3A_689, %slice3A_684, %slice3A_683 : vector<16x768xi1>, vector<16x768xi32>
    %slice3A_692 = vector.extract_strided_slice %select_n3A_690 {offsets = [0, 0], sizes = [8, 768], strides = [1, 1]} : vector<16x768xf32> to vector<8x768xf32>
    %slice3A_693 = vector.extract_strided_slice %select_n3A_690 {offsets = [8, 0], sizes = [8, 768], strides = [1, 1]} : vector<16x768xf32> to vector<8x768xf32>
    %slice3A_694 = vector.extract_strided_slice %select_n3A_691 {offsets = [0, 0], sizes = [8, 768], strides = [1, 1]} : vector<16x768xi32> to vector<8x768xi32>
    %slice3A_695 = vector.extract_strided_slice %select_n3A_691 {offsets = [8, 0], sizes = [8, 768], strides = [1, 1]} : vector<16x768xi32> to vector<8x768xi32>
    %gt3A_696 = arith.cmpf ogt, %slice3A_693, %slice3A_692 : vector<8x768xf32>
    %eq3A_697 = arith.cmpf oeq, %slice3A_693, %slice3A_692 : vector<8x768xf32>
    %lt3A_698 = arith.cmpi slt, %slice3A_695, %slice3A_694 : vector<8x768xi32>
    %and3A_699 = arith.andi %eq3A_697, %lt3A_698 : vector<8x768xi1>
    %or3A_700 = arith.ori %gt3A_696, %and3A_699 : vector<8x768xi1>
    %select_n3A_701 = arith.select %or3A_700, %slice3A_693, %slice3A_692 : vector<8x768xi1>, vector<8x768xf32>
    %select_n3A_702 = arith.select %or3A_700, %slice3A_695, %slice3A_694 : vector<8x768xi1>, vector<8x768xi32>
    %slice3A_703 = vector.extract_strided_slice %select_n3A_701 {offsets = [0, 0], sizes = [4, 768], strides = [1, 1]} : vector<8x768xf32> to vector<4x768xf32>
    %slice3A_704 = vector.extract_strided_slice %select_n3A_701 {offsets = [4, 0], sizes = [4, 768], strides = [1, 1]} : vector<8x768xf32> to vector<4x768xf32>
    %slice3A_705 = vector.extract_strided_slice %select_n3A_702 {offsets = [0, 0], sizes = [4, 768], strides = [1, 1]} : vector<8x768xi32> to vector<4x768xi32>
    %slice3A_706 = vector.extract_strided_slice %select_n3A_702 {offsets = [4, 0], sizes = [4, 768], strides = [1, 1]} : vector<8x768xi32> to vector<4x768xi32>
    %gt3A_707 = arith.cmpf ogt, %slice3A_704, %slice3A_703 : vector<4x768xf32>
    %eq3A_708 = arith.cmpf oeq, %slice3A_704, %slice3A_703 : vector<4x768xf32>
    %lt3A_709 = arith.cmpi slt, %slice3A_706, %slice3A_705 : vector<4x768xi32>
    %and3A_710 = arith.andi %eq3A_708, %lt3A_709 : vector<4x768xi1>
    %or3A_711 = arith.ori %gt3A_707, %and3A_710 : vector<4x768xi1>
    %select_n3A_712 = arith.select %or3A_711, %slice3A_704, %slice3A_703 : vector<4x768xi1>, vector<4x768xf32>
    %select_n3A_713 = arith.select %or3A_711, %slice3A_706, %slice3A_705 : vector<4x768xi1>, vector<4x768xi32>
    %slice3A_714 = vector.extract_strided_slice %select_n3A_712 {offsets = [0, 0], sizes = [2, 768], strides = [1, 1]} : vector<4x768xf32> to vector<2x768xf32>
    %slice3A_715 = vector.extract_strided_slice %select_n3A_712 {offsets = [2, 0], sizes = [2, 768], strides = [1, 1]} : vector<4x768xf32> to vector<2x768xf32>
    %slice3A_716 = vector.extract_strided_slice %select_n3A_713 {offsets = [0, 0], sizes = [2, 768], strides = [1, 1]} : vector<4x768xi32> to vector<2x768xi32>
    %slice3A_717 = vector.extract_strided_slice %select_n3A_713 {offsets = [2, 0], sizes = [2, 768], strides = [1, 1]} : vector<4x768xi32> to vector<2x768xi32>
    %gt3A_718 = arith.cmpf ogt, %slice3A_715, %slice3A_714 : vector<2x768xf32>
    %eq3A_719 = arith.cmpf oeq, %slice3A_715, %slice3A_714 : vector<2x768xf32>
    %lt3A_720 = arith.cmpi slt, %slice3A_717, %slice3A_716 : vector<2x768xi32>
    %and3A_721 = arith.andi %eq3A_719, %lt3A_720 : vector<2x768xi1>
    %or3A_722 = arith.ori %gt3A_718, %and3A_721 : vector<2x768xi1>
    %select_n3A_723 = arith.select %or3A_722, %slice3A_715, %slice3A_714 : vector<2x768xi1>, vector<2x768xf32>
    %select_n3A_724 = arith.select %or3A_722, %slice3A_717, %slice3A_716 : vector<2x768xi1>, vector<2x768xi32>
    %slice3A_725 = vector.extract_strided_slice %select_n3A_723 {offsets = [0, 0], sizes = [1, 768], strides = [1, 1]} : vector<2x768xf32> to vector<1x768xf32>
    %slice3A_726 = vector.extract_strided_slice %select_n3A_723 {offsets = [1, 0], sizes = [1, 768], strides = [1, 1]} : vector<2x768xf32> to vector<1x768xf32>
    %slice3A_727 = vector.extract_strided_slice %select_n3A_724 {offsets = [0, 0], sizes = [1, 768], strides = [1, 1]} : vector<2x768xi32> to vector<1x768xi32>
    %slice3A_728 = vector.extract_strided_slice %select_n3A_724 {offsets = [1, 0], sizes = [1, 768], strides = [1, 1]} : vector<2x768xi32> to vector<1x768xi32>
    %gt3A_729 = arith.cmpf ogt, %slice3A_726, %slice3A_725 : vector<1x768xf32>
    %eq3A_730 = arith.cmpf oeq, %slice3A_726, %slice3A_725 : vector<1x768xf32>
    %lt3A_731 = arith.cmpi slt, %slice3A_728, %slice3A_727 : vector<1x768xi32>
    %and3A_732 = arith.andi %eq3A_730, %lt3A_731 : vector<1x768xi1>
    %or3A_733 = arith.ori %gt3A_729, %and3A_732 : vector<1x768xi1>
    %select_n3A_734 = arith.select %or3A_733, %slice3A_726, %slice3A_725 : vector<1x768xi1>, vector<1x768xf32>
    %select_n3A_735 = arith.select %or3A_733, %slice3A_728, %slice3A_727 : vector<1x768xi1>, vector<1x768xi32>
    %convert_element_type3A_736 = arith.truncf %select_n3A_580 : vector<1x768xf32> to vector<1x768xbf16>
    %convert_element_type3A_737 = arith.extf %convert_element_type3A_736 : vector<1x768xbf16> to vector<1x768xf32>
    %gt3A_738 = arith.cmpf ogt, %select_n3A_657, %convert_element_type3A_737 : vector<1x768xf32>
    %select_n3A_739 = arith.select %gt3A_738, %select_n3A_658, %select_n3A_581 : vector<1x768xi1>, vector<1x768xi32>
    %select_n3A_740 = arith.select %gt3A_738, %select_n3A_657, %convert_element_type3A_737 : vector<1x768xi1>, vector<1x768xf32>
    %convert_element_type3A_741 = arith.truncf %select_n3A_740 : vector<1x768xf32> to vector<1x768xbf16>
    %convert_element_type3A_742 = arith.extf %convert_element_type3A_741 : vector<1x768xbf16> to vector<1x768xf32>
    %gt3A_743 = arith.cmpf ogt, %select_n3A_734, %convert_element_type3A_742 : vector<1x768xf32>
    %select_n3A_744 = arith.select %gt3A_743, %select_n3A_735, %select_n3A_739 : vector<1x768xi1>, vector<1x768xi32>
    %select_n3A_745 = arith.select %gt3A_743, %select_n3A_734, %convert_element_type3A_742 : vector<1x768xi1>, vector<1x768xf32>
    %convert_element_type3A_746 = arith.truncf %select_n3A_745 : vector<1x768xf32> to vector<1x768xbf16>
    %convert_element_type3A_747 = arith.extf %convert_element_type3A_746 : vector<1x768xbf16> to vector<1x768xf32>
    %squeeze3A = vector.shape_cast %select_n3A_744 : vector<1x768xi32> to vector<768xi32>
    %swap3A = arith.constant 0 : index
    %swap3A_748 = arith.constant 0 : index
    %swap3A_749 = arith.constant 0 : index
    %swap3A_750 = vector.load %arg6[%swap3A, %swap3A_748, %swap3A_749] : memref<1x1x768xi32, #tpu.memory_space<vmem>>, vector<1x1x768xi32>
    %swap3A_751 = vector.shape_cast %swap3A_750 : vector<1x1x768xi32> to vector<768xi32>
    %swap3A_752 = vector.shape_cast %squeeze3A : vector<768xi32> to vector<1x1x768xi32>
    tpu.vector_store %arg6[%swap3A, %swap3A_748, %swap3A_749], %swap3A_752 {strides = array<i32>} : memref<1x1x768xi32, #tpu.memory_space<vmem>>, vector<1x1x768xi32>,
    %get3A_753 = arith.constant 0 : index
    %get3A_754 = arith.constant 0 : index
    %get3A_755 = memref.load %arg7[%get3A_753, %get3A_754] : memref<1x1xf32, #tpu.memory_space<smem>>
    %reduce_sum3A = vector.shape_cast %convert_element_type3A_747 : vector<1x768xf32> to vector<1x1x768xf32>
    %reduce_sum3A_756 = arith.constant dense<0.000000e+00> : vector<1xf32>
    %reduce_sum3A_757 = vector.multi_reduction <add>, %reduce_sum3A, %reduce_sum3A_756 [1, 2] : vector<1x1x768xf32> to vector<1xf32>
    %reduce_sum3A_758 = vector.shape_cast %reduce_sum3A_757 : vector<1xf32> to vector<1x1x1xf32>
    %reduce_sum3A_759 = vector.extract %reduce_sum3A_758[0, 0, 0] : f32 from vector<1x1x1xf32>
    %neg3A = arith.constant 0.000000e+00 : f32
    %neg3A_760 = arith.subf %neg3A, %reduce_sum3A_759 : f32
    %add3A_761 = arith.addf %get3A_755, %neg3A_760 : f32
    %swap3A_762 = arith.constant 0 : index
    %swap3A_763 = arith.constant 0 : index
    %swap3A_764 = memref.load %arg7[%swap3A_762, %swap3A_763] : memref<1x1xf32, #tpu.memory_space<smem>>
    memref.store %add3A_761, %arg7[%swap3A_762, %swap3A_763] : memref<1x1xf32, #tpu.memory_space<smem>>
    return
  }
  func.func @transform_0(%arg0: i32) -> (i32, i32) {
    %c0_i32 = arith.constant 0 : i32
    %c0_i32_0 = arith.constant 0 : i32
    return %arg0, %c0_i32 : i32, i32
  }
  func.func @transform_1(%arg0: i32) -> (i32, i32) {
    %c0_i32 = arith.constant 0 : i32
    %c0_i32_0 = arith.constant 0 : i32
    %c0_i32_1 = arith.constant 0 : i32
    return %c0_i32, %c0_i32_0 : i32, i32
  }
  func.func @transform_2(%arg0: i32) -> (i32, i32, i32) {
    %c0_i32 = arith.constant 0 : i32
    %c0_i32_0 = arith.constant 0 : i32
    %c0_i32_1 = arith.constant 0 : i32
    return %arg0, %c0_i32, %c0_i32_0 : i32, i32, i32
  }
  func.func @transform_3(%arg0: i32) -> (i32, i32) {
    %c0_i32 = arith.constant 0 : i32
    %c0_i32_0 = arith.constant 0 : i32
    %c0_i32_1 = arith.constant 0 : i32
    return %c0_i32, %c0_i32_0 : i32, i32
  }
  func.func @transform_4(%arg0: i32) -> (i32, i32) {
    %c0_i32 = arith.constant 0 : i32
    %c0_i32_0 = arith.constant 0 : i32
    %c0_i32_1 = arith.constant 0 : i32
    return %c0_i32, %c0_i32_0 : i32, i32
  }
  func.func @transform_5(%arg0: i32) -> (i32, i32, i32) {
    %c0_i32 = arith.constant 0 : i32
    %c0_i32_0 = arith.constant 0 : i32
    %c0_i32_1 = arith.constant 0 : i32
    return %arg0, %c0_i32, %c0_i32_0 : i32, i32, i32
  }
  func.func @transform_6(%arg0: i32) -> (i32, i32) {
    %c0_i32 = arith.constant 0 : i32
    %c0_i32_0 = arith.constant 0 : i32
    %c0_i32_1 = arith.constant 0 : i32
    return %c0_i32, %c0_i32_0 : i32, i32
  }
  func.func @transform_7(%arg0: i32) -> (i32, i32) {
    %c0_i32 = arith.constant 0 : i32
    %c0_i32_0 = arith.constant 0 : i32
    %c0_i32_1 = arith.constant 0 : i32
    return %c0_i32, %c0_i32_0 : i32, i32
  }
}

</mosaic_0001>

<sc_bundles>
// kernel: kernel.4.cloned.1.call-start
scs
__scs_entry_jumppad:
0x0: {  	(pc) =	sbr.rel $0x88, $3  }
0x1: {  	(tag) =	ssettag $0x0;
	lr =	simm.s32 $0x1  }
0x2: {  	[smem:$0x3F9E] =	sst lr;
	_ =	strace $0xD0000000  }
0x3: {  	_ = 	snop  }
0x4: {  	_ = 	snop  }
0x5: {  	_ = 	snop  }
0x6: {  	_ = 	snop  }
0x7: {  	_ = 	snop  }
__scs_overlays_trampoline_lowered:
0x8: {  	[smem:$0x3FAD] =	sst s0  }
0x9: {  	[smem:$0x3FAE] =	sst s1  }
0xa: {  	[smem:$0x3FAF] =	sst s2  }
0xb: {  	[smem:$0x3FB0] =	sst s3  }
0xc: {  	[smem:$0x3FB1] =	sst s4  }
0xd: {  	[smem:$0x3FB2] =	sst s5  }
0xe: {  	[smem:$0x3FB3] =	sst s6  }
0xf: {  	[smem:$0x3FB4] =	sst s7  }
0x10: {  	[smem:$0x3FB5] =	sst s8  }
0x11: {  	[smem:$0x3FB6] =	sst s9;
	s0 =	simm.s32 @!p0 $0x0  }
0x12: {  	s1 =	sld [smem:$0x3F9C];
	s0 =	simm.s32 @p0 $0x1  }
0x13: {  	[smem:$0x3FB7] =	sst s0;
	s0 =	simm.s32 @!p1 $0x0  }
0x14: {  	s2 =	sld [smem:$0x3F9B];
	s0 =	simm.s32 @p1 $0x1  }
0x15: {  	[smem:$0x3FB8] =	sst s0;
	s0 =	simm.s32 @!p2 $0x0  }
0x16: {  	s3 =	sld [smem:$0x3FDB];
	s0 =	simm.s32 @p2 $0x1  }
0x17: {  	s4 =	simm.s32 $0x1BF5;
	[smem:$0x3FBA] =	sst s0  }
0x18: {  	s0 =	sld [smem:$0x3F9D];
	_ =	swait.ge [sflag:s4], $0x0  }
0x19: {  	s7 =	sld [smem:$0x3F9E]  }
0x1a: {  	s8 =	sadd.s32 $0xFFFFE003, lr  }
0x1b: {  	s9 =	sadd.s32 $0xFFFFFEF7, lr;
	s5 =	simm.s32 $0xFFFFFFFF;
	p2 =	slt.u32 s8, $0xFFFFF086  }
0x1c: {  	p1 =	slt.u32 s9, $0xF7A;
	s5 =	simm.s32 @!p2 $0x0  }
0x1d: {  	s5 =	simm.s32 @p1 $0x1;
	p0 =	seq.s32 s7, s2  }
0x1e: {  	s7 =	smul.u32 @!p0 $0xF7A, s2;
	p2 =	seq.s32 @!p0 s5, $0x0  }
0x1f: {  	s9 =	smul.u32 $0xF7A, s1;
	s8 =	simm.s32 @!p0 $0x1BF5;
	p2 =	por !p2, p0  }
0x20: {  	[sflag:s8] =	ssyncset.s32 @!p0 $0xFFFFF086;
	s6 =	sadd.s32 @!p0 s3, s7;
	s7 =	simm.s32 @!p0 $0x108  }
0x21: {  	s3 =	sadd.s32 s3, s9;
	s6 =	sadd.s32 @!p0 $0x88, s6;
	s7 =	simm.s32 @p2 $0x1082  }
0x22: {  	[simem:s7], [sflag:s8] =	dma.local @!p0 [hbm:s6], $0xF7A  }
0x23: {  	s9 =	sor.u32 $0xD0000000, s2;
	s6 =	simm.s32 $0x108;
	_ =	swait.ge @!p0 [sflag:s8], $0x0  }
0x24: {  	s3 =	sadd.s32 $0x88, s3;
	s6 =	simm.s32 @!p1 $0x1082;
	[sflag:s4] =	ssyncset.s32 $0xFFFFF086  }
0x25: {  	[simem:s6], [sflag:s4] =	dma.local [hbm:s3], $0xF7A  }
0x26: {  	[smem:$0x3F9E] =	sst s1;
	(tag) =	ssettag s2;
	_ =	strace s9  }
0x27: {  	s1 =	sld [smem:$0x3FAE]  }
0x28: {  	s2 =	sld [smem:$0x3FAF]  }
0x29: {  	s4 =	sld [smem:$0x3FB1]  }
0x2a: {  	p0 =	seq.s32 s5, $0x0;
	s5 =	sld [smem:$0x3FB2]  }
0x2b: {  	s6 =	sld [smem:$0x3FB3]  }
0x2c: {  	s7 =	sld [smem:$0x3FB4]  }
0x2d: {  	s3 =	simm.s32 $0x108;
	s8 =	sld [smem:$0x3FB5]  }
0x2e: {  	s3 =	simm.s32 @!p0 $0x1082;
	s9 =	sld [smem:$0x3FB6]  }
0x2f: {  	lr =	sadd.s32 s0, s3;
	s0 =	sld [smem:$0x3FAD]  }
0x30: {  	s3 =	sld [smem:$0x3FB0]  }
0x31: {  	[smem:$0x3FB9] =	sst s10  }
0x32: {  	s10 =	sld [smem:$0x3FB7];
	_ =	sdelay $0x3  }
0x33: {  	p0 =	seq.s32 s10, $0x1;
	s10 =	sld [smem:$0x3FB9];
	_ =	sdelay $0x3  }
0x34: {  	[smem:$0x3FB9] =	sst s10  }
0x35: {  	s10 =	sld [smem:$0x3FB8];
	_ =	sdelay $0x3  }
0x36: {  	p1 =	seq.s32 s10, $0x1;
	s10 =	sld [smem:$0x3FB9];
	_ =	sdelay $0x3  }
0x37: {  	[smem:$0x3FB9] =	sst s10  }
0x38: {  	s10 =	sld [smem:$0x3FBA]  }
0x39: {  	_ = 	snop;
	(pc) =	sbr.ind lr, $3  }
0x3a: {  	_ = 	snop  }
0x3b: {  	_ = 	snop  }
0x3c: {  	p2 =	seq.s32 s10, $0x1;
	s10 =	sld [smem:$0x3FB9]  }
0x3d: {  	_ =	shalt  }
0x3e: {  	_ =	shalt  }
0x3f: {  	_ =	shalt  }
0x40: {  	_ =	shalt  }
0x41: {  	_ =	shalt  }
0x42: {  	_ =	shalt  }
0x43: {  	_ =	shalt  }
0x44: {  	_ =	shalt  }
0x45: {  	_ =	shalt  }
0x46: {  	_ =	shalt  }
0x47: {  	_ =	shalt  }
0x48: {  	_ =	shalt  }
0x49: {  	_ =	shalt  }
0x4a: {  	_ =	shalt  }
0x4b: {  	_ =	shalt  }
0x4c: {  	_ =	shalt  }
0x4d: {  	_ =	shalt  }
0x4e: {  	_ =	shalt  }
0x4f: {  	_ =	shalt  }
0x50: {  	_ =	shalt  }
0x51: {  	_ =	shalt  }
0x52: {  	_ =	shalt  }
0x53: {  	_ =	shalt  }
0x54: {  	_ =	shalt  }
0x55: {  	_ =	shalt  }
0x56: {  	_ =	shalt  }
0x57: {  	_ =	shalt  }
0x58: {  	_ =	shalt  }
0x59: {  	_ =	shalt  }
0x5a: {  	_ =	shalt  }
0x5b: {  	_ =	shalt  }
0x5c: {  	_ =	shalt  }
0x5d: {  	_ =	shalt  }
0x5e: {  	_ =	shalt  }
0x5f: {  	_ =	shalt  }
0x60: {  	_ =	shalt  }
0x61: {  	_ =	shalt  }
0x62: {  	_ =	shalt  }
0x63: {  	_ =	shalt  }
0x64: {  	_ =	shalt  }
0x65: {  	_ =	shalt  }
0x66: {  	_ =	shalt  }
0x67: {  	_ =	shalt  }
0x68: {  	_ =	shalt  }
0x69: {  	_ =	shalt  }
0x6a: {  	_ =	shalt  }
0x6b: {  	_ =	shalt  }
0x6c: {  	_ =	shalt  }
0x6d: {  	_ =	shalt  }
0x6e: {  	_ =	shalt  }
0x6f: {  	_ =	shalt  }
0x70: {  	_ =	shalt  }
0x71: {  	_ =	shalt  }
0x72: {  	_ =	shalt  }
0x73: {  	_ =	shalt  }
0x74: {  	_ =	shalt  }
0x75: {  	_ =	shalt  }
0x76: {  	_ =	shalt  }
0x77: {  	_ =	shalt  }
0x78: {  	_ =	shalt  }
0x79: {  	_ =	shalt  }
0x7a: {  	_ =	shalt  }
0x7b: {  	_ =	shalt  }
0x7c: {  	_ =	shalt  }
0x7d: {  	_ =	shalt  }
0x7e: {  	_ =	shalt  }
0x7f: {  	_ =	shalt  }
0x80: {  	_ =	shalt  }
0x81: {  	_ =	shalt  }
0x82: {  	_ =	shalt  }
0x83: {  	_ =	shalt  }
0x84: {  	_ =	shalt  }
0x85: {  	_ =	shalt  }
0x86: {  	_ =	shalt  }
0x87: {  	_ =	shalt  }
.Lfunc_end0:
.L_simem_size_0:
called_computation_lowered:
.L_overlay_start_0:
0x88: {  	s2 =	sld [smem:$0x3FD9]  }
0x89: {  	s3 =	sld [smem:$0x3FFE];
	_ =	sdelay $0x1  }
0x8a: {  	s1 =	srdreg.scid  }
0x8b: {  	s0 =	sand.u32 $0x1, s1  }
0x8c: {  	s14 =	sshll.u32 s0, $0xA;
	s2 =	sadd.s32 s3, s2  }
0x8d: {  	s2 =	sadd.s32 s2, s14  }
0x8e: {  	[smem:$0x3FC5] =	sst s2  }
0x8f: {  	_ = 	snop  }
0x90: {  	s2 =	sld [smem:$0x3FD0];
	_ =	sdelay $0x2  }
0x91: {  	s4 =	simm.s32 $0xA;
	s5 =	simm.s32 $0x10;
	s15 =	sld [smem:$0x3FC8]  }
0x92: {  	[smem:s5], [sflag:s4] =	dma.local [hbm:s2], $0x1  }
0x93: {  	_ =	swait.eq [sflag:s4], $0x1  }
0x94: {  	[sflag:s4] =	ssyncset.done $0x0  }
0x95: {  	[sflag:s4] =	ssyncadd.s32 $0xFFFFFFFF  }
0x96: {  	s16 =	sld [smem:$0x10];
	(tm) =	ssettm $0x1  }
0x97: {  	s17 =	sld [smem:$0x3FFB];
	_ =	sdelay $0x3  }
0x98: {  	_ =	strace s17  }
0x99: {  	s4 =	sld [smem:$0x3FFC];
	_ =	sdelay $0x3  }
0x9a: {  	_ =	strace s4  }
0x9b: {  	s4 =	sld [smem:$0x3FFD];
	_ =	sdelay $0x3  }
0x9c: {  	_ =	strace s4  }
0x9d: {  	_ =	strace $0x8FFFFFFF  }
0x9e: {  	s18 =	sld [smem:$0x3FDB];
	_ =	sdelay $0x1  }
0x9f: {  	s19 =	simm.s32 $_scs_section_size  }
0xa0: {  	s6 =	simm.s32 $_size__tile_overlayer_lowered;
	s7 =	simm.s32 $_tile_overlayer_lowered  }
0xa1: {  	s22 =	simm.s32 $0x1BFF;
	s21 =	sshll.u32 s7, $0x1;
	s4 =	sadd.s32 s19, s18  }
0xa2: {  	s8 =	simm.s32 $0x0;
	s20 =	sshll.u32 s6, $0x1;
	s6 =	sadd.s32 s21, s4  }
0xa3: {  	[timem:s8], [sflag:s22] =	dma.local [hbm:s6], s20  }
0xa4: {  	_ =	swait.ge [sflag:s22], s20  }
0xa5: {  	s5 =	ssub.s32 $0x0, s20;
	[sflag:s22] =	ssyncset.done $0x0  }
0xa6: {  	[sflag:s22] =	ssyncadd.s32 s5;
	_ =	sdelay $0x1  }
0xa7: {  	s23 =	simm.s32 $0x1B8B  }
0xa8: {  	_ =	swait.ge [sflag:s23], $0x1  }
0xa9: {  	[sflag:s23] =	ssyncset.done $0x0  }
0xaa: {  	s25 =	simm.s32 $0x1B8E;
	s24 =	sld [smem:$0x3FFE];
	[sflag:s23] =	ssyncadd.s32 $0xFFFFFFFF  }
0xab: {  	s26 =	simm.s32 $execute0_lowered;
	[smem:$0x3FD2] =	sst s25  }
0xac: {  	s6 =	sshll.u32 s26, $0x1;
	_ =	strace $0x80000046;
	[dreg:$0x1] =	wrdreg $0xFFFFFFFF  }
0xad: {  	s28 =	simm.s32 $_size_execute0_lowered;
	s4 =	sadd.s32 s4, s6;
	[dreg:$0x0] =	wrdreg $0x0  }
0xae: {  	s6 =	sshll.u32 s28, $0x1;
	[dreg:$0x2] =	wrdreg s4  }
0xaf: {  	[dreg:$0x3] =	wrdreg s6  }
0xb0: {  	[dreg:$0x4] =	wrdreg $0xC0  }
0xb1: {  	_ =	task [dreg:s8], $0x5FFFF  }
0xb2: {  	[dreg:$0x1] =	wrdreg $0xFFFFFFFF  }
0xb3: {  	[dreg:$0x0] =	wrdreg $0x60  }
0xb4: {  	[dreg:$0x2] =	wrdreg s24  }
0xb5: {  	[dreg:$0x3] =	wrdreg s15  }
0xb6: {  	[dreg:$0x4] =	wrdreg s16  }
0xb7: {  	[dreg:$0x5] =	wrdreg $0x9  }
0xb8: {  	_ =	task.clear_ibuf [dreg:s8], $0x6FFFF;
	_ =	strace $0x90000046  }
0xb9: {  	s29 =	simm.s32 $0x9;
	_ =	strace $0x80000048  }
0xba: {  	_ =	swait.ge [sflag:s29], $0x1  }
0xbb: {  	[sflag:s29] =	ssyncadd.s32 $0xFFFFFFFF  }
0xbc: {  	_ =	strace $0x90000048  }
0xbd: {  	_ =	sfence  }
0xbe: {  	s30 =	sld [smem:$0x0];
	_ =	sdelay $0x2  }
0xbf: {  	s31 =	sshll.u32 s1, $0xD;
	s1 =	sshrl.u32 s1, $0x2  }
0xc0: {  	s3 =	sand.u32 $0x4000, s31;
	s1 =	sadd.s32 s1, s30  }
0xc1: {  	s0 =	sor.u32 s3, s0;
	s1 =	sshll.u32 s1, $0x11  }
0xc2: {  	s0 =	sor.u32 s1, s0  }
0xc3: {  	s0 =	sadd.s32 $0x8F2B, s0  }
0xc4: {  	[sflag:s0] =	ssyncadd.remote.s32 $0x1  }
0xc5: {  	_ =	sfence.sel $0xFFFF  }
0xc6: {  	[dreg:$0x0] =	wrdreg $0xFFFFFFFF;
	(pc) =	sbr.abs _section_cstart, $3  }
0xc7: {  	[dreg:$0x1] =	wrdreg $0xFFFFFFFF  }
0xc8: {  	_ =	task.clear_ibuf [dreg:s8], $0x2FFFF;
	_ =	strace $0x9FFFFFFF  }
0xc9: {  	(tm) =	ssettm $0x7FFFFFFF  }
tec
execute0_lowered:
.L_overlay_start_1:
0x0: {  	(tag) =	ssettag $0x1  }
0x1: {  	s1 =	srdreg.scid;
	s4 =	rddreg [dreg:$0x0]  }
0x2: {  	s0 =	stileid.u32;
	s2 =	rddreg [dreg:$0x1]  }
0x3: {  	s6 =	rddreg [dreg:$0x2];
	s15 =	simm.s32 $0x980;
	s16 =	simm.s32 $0x1180  }
0x4: {  	s17 =	simm.s32 $0x1980;
	s1 =	sand.u32 $0x1, s1;
	s3 =	sshll.u32 s0, $0x1  }
0x5: {  	s18 =	simm.s32 $0x2180;
	s5 =	sor.u32 s1, s3;
	s3 =	simm.s32 $0x0  }
0x6: {  	s19 =	simm.s32 $0x2980;
	s20 =	simm.s32 $0x3180;
	[smem:$0x7FF] =	sst s3  }
0x7: {  	s21 =	simm.s32 $0x3980;
	_ =	strace $0x80000047;
	[dreg:$0x6] =	wrdreg s15  }
0x8: {  	s23 =	simm.s32 $0x4180;
	s24 =	simm.s32 $0x4980;
	[dreg:$0x7] =	wrdreg s16  }
0x9: {  	s25 =	simm.s32 $0x5180;
	s26 =	simm.s32 $0x5980;
	[dreg:$0x8] =	wrdreg s17  }
0xa: {  	s8 =	simm.s32 $0x6980;
	s9 =	simm.s32 $0x7180;
	[dreg:$0x9] =	wrdreg s18  }
0xb: {  	s10 =	simm.s32 $0x7980;
	s11 =	simm.s32 $0x8180;
	[dreg:$0xa] =	wrdreg s19  }
0xc: {  	s12 =	simm.s32 $0x8980;
	s13 =	simm.s32 $0x9180;
	[dreg:$0xb] =	wrdreg s20  }
0xd: {  	s28 =	simm.s32 $0x10180;
	s29 =	simm.s32 $0x10980;
	[dreg:$0xc] =	wrdreg s21  }
0xe: {  	s30 =	simm.s32 $0x11180;
	s31 =	simm.s32 $0x11980;
	[dreg:$0xd] =	wrdreg s23  }
0xf: {  	s1 =	ssub.s32 $0x2, s1;
	s7 =	smul.u32 $0x24, s5;
	[dreg:$0xe] =	wrdreg s24  }
0x10: {  	s5 =	smul.u32 $0x2400, s5;
	s22 =	sshrl.u32 s1, $0x1;
	[dreg:$0xf] =	wrdreg s25  }
0x11: {  	s1 =	ssub.s32 s1, s22;
	[dreg:$0x10] =	wrdreg s26;
	s15 =	simm.s32 $0xA180  }
0x12: {  	s16 =	simm.s32 $0xA980;
	s17 =	simm.s32 $0xB180;
	s18 =	simm.s32 $0xB980  }
0x13: {  	s19 =	simm.s32 $0xC180;
	s20 =	simm.s32 $0xC980;
	s21 =	simm.s32 $0xD180  }
0x14: {  	s22 =	simm.s32 $0xD980;
	s23 =	simm.s32 $0xE180;
	s24 =	simm.s32 $0xE980  }
0x15: {  	s25 =	simm.s32 $0xF180;
	s26 =	simm.s32 $0xF980;
	s4 =	sadd.s32 s7, s4  }
0x16: {  	v2 =	vlaneseq.u32;
	s14 =	sadd.s32 s6, s5;
	s5 =	simm.s32 $0x2;
	s6 =	simm.s32 $0x180  }
0x17: {  	vm0 =	vmmov $0xffff;
	v1 =	vshrl.u32 v2, $0x3;
	s4 =	sadd.s32 $0x200, s4;
	[dreg:$0x5] =	wrdreg s14;
	s14 =	simm.s32 $0x9980  }
0x18: {  	v0 =	vand.u32 $0x7, v2;
	v2 =	vor.u32 $0x8, v2;
	v1 =	vmul.u32 $0x8, v1;
	[dreg:$0x4] =	wrdreg s4;
	s4 =	smax.u32 s1, $0x1;
	s1 =	simm.s32 $0x1  }
.LBB2_1:
0x19: {  	s0 =	rddreg [dreg:$0x4]  }
0x1a: {  	[tilespmem:s3], [sflag:$0x2] =	stream.linear.gather [hbm4b:s0+s3], $0x120, $0x38;
	[tilespmem:$0x12180] =	vst v63  }
0x1b: {  	_ =	swait.ge [sflag:s5], $0x120  }
0x1c: {  	[sflag:s5] =	ssyncset.done $0x0  }
0x1d: {  	[sflag:s5] =	ssyncadd.s32 $0xFFFFFEE0  }
0x1e: {  	v3 =	vld [tilespmem:$0x0];
	_ =	sdelay $0x4  }
0x1f: {  	v4 =	vshll.u32 v3, $0x1  }
0x20: {  	v3 =	vand.u32 $0x7, v3;
	v4 =	vand.u32 $0xFFFFFFF0, v4  }
0x21: {  	v3 =	vor.u32 v3, v4  }
0x22: {  	v4 =	vperm.xlane v3, v0;
	_ =	sdelay $0x1  }
0x23: {  	v3 =	vperm.xlane v3, v2;
	v4 =	vadd.s32 v1, v4;
	_ =	sdelay $0x1  }
0x24: {  	v3 =	vadd.s32 v1, v3;
	_ =	sdelay $0x2  }
0x25: {  	[tilespmem:s6], [sflag:$0x1] =	stream.indirect_vreg.gather [hbm4b:s2+s3], $0x80, v4, vm0, $0xb8;
	[tilespmem:$0x12180] =	vst v63  }
0x26: {  	s7 =	rddreg [dreg:$0x6]  }
0x27: {  	[tilespmem:s7], [sflag:$0x1] =	stream.indirect_vreg.gather [hbm4b:s2+s3], $0x80, v3, vm0, $0xb8;
	[tilespmem:$0x12180] =	vst v63  }
0x28: {  	v3 =	vld [tilespmem:$0x10];
	_ =	sdelay $0x4  }
0x29: {  	v47 =	vshll.u32 v3, $0x1  }
0x2a: {  	v3 =	vand.u32 $0x7, v3;
	v4 =	vand.u32 $0xFFFFFFF0, v47  }
0x2b: {  	v3 =	vor.u32 v3, v4  }
0x2c: {  	v4 =	vperm.xlane v3, v0;
	_ =	sdelay $0x1  }
0x2d: {  	v3 =	vperm.xlane v3, v2;
	v4 =	vadd.s32 v1, v4;
	_ =	sdelay $0x1  }
0x2e: {  	v3 =	vadd.s32 v1, v3;
	_ =	sdelay $0x1  }
0x2f: {  	s0 =	rddreg [dreg:$0x7]  }
0x30: {  	[tilespmem:s0], [sflag:$0x1] =	stream.indirect_vreg.gather [hbm4b:s2+s3], $0x80, v4, vm0, $0xb8;
	[tilespmem:$0x12180] =	vst v63  }
0x31: {  	s7 =	rddreg [dreg:$0x8]  }
0x32: {  	[tilespmem:s7], [sflag:$0x1] =	stream.indirect_vreg.gather [hbm4b:s2+s3], $0x80, v3, vm0, $0xb8;
	[tilespmem:$0x12180] =	vst v63  }
0x33: {  	v3 =	vld [tilespmem:$0x20];
	_ =	sdelay $0x4  }
0x34: {  	v48 =	vshll.u32 v3, $0x1  }
0x35: {  	v3 =	vand.u32 $0x7, v3;
	v4 =	vand.u32 $0xFFFFFFF0, v48  }
0x36: {  	v3 =	vor.u32 v3, v4  }
0x37: {  	v4 =	vperm.xlane v3, v0;
	_ =	sdelay $0x1  }
0x38: {  	v3 =	vperm.xlane v3, v2;
	v4 =	vadd.s32 v1, v4;
	_ =	sdelay $0x1  }
0x39: {  	v3 =	vadd.s32 v1, v3;
	_ =	sdelay $0x1  }
0x3a: {  	s0 =	rddreg [dreg:$0x9]  }
0x3b: {  	[tilespmem:s0], [sflag:$0x1] =	stream.indirect_vreg.gather [hbm4b:s2+s3], $0x80, v4, vm0, $0xb8;
	[tilespmem:$0x12180] =	vst v63  }
0x3c: {  	s7 =	rddreg [dreg:$0xa]  }
0x3d: {  	[tilespmem:s7], [sflag:$0x1] =	stream.indirect_vreg.gather [hbm4b:s2+s3], $0x80, v3, vm0, $0xb8;
	[tilespmem:$0x12180] =	vst v63  }
0x3e: {  	v3 =	vld [tilespmem:$0x30];
	_ =	sdelay $0x4  }
0x3f: {  	v49 =	vshll.u32 v3, $0x1  }
0x40: {  	v3 =	vand.u32 $0x7, v3;
	v4 =	vand.u32 $0xFFFFFFF0, v49  }
0x41: {  	v3 =	vor.u32 v3, v4  }
0x42: {  	v4 =	vperm.xlane v3, v0;
	_ =	sdelay $0x1  }
0x43: {  	v3 =	vperm.xlane v3, v2;
	v4 =	vadd.s32 v1, v4;
	_ =	sdelay $0x1  }
0x44: {  	v3 =	vadd.s32 v1, v3;
	_ =	sdelay $0x1  }
0x45: {  	s0 =	rddreg [dreg:$0xb]  }
0x46: {  	[tilespmem:s0], [sflag:$0x1] =	stream.indirect_vreg.gather [hbm4b:s2+s3], $0x80, v4, vm0, $0xb8;
	[tilespmem:$0x12180] =	vst v63  }
0x47: {  	s7 =	rddreg [dreg:$0xc]  }
0x48: {  	[tilespmem:s7], [sflag:$0x1] =	stream.indirect_vreg.gather [hbm4b:s2+s3], $0x80, v3, vm0, $0xb8;
	[tilespmem:$0x12180] =	vst v63  }
0x49: {  	v3 =	vld [tilespmem:$0x40];
	_ =	sdelay $0x4  }
0x4a: {  	v50 =	vshll.u32 v3, $0x1  }
0x4b: {  	v3 =	vand.u32 $0x7, v3;
	v4 =	vand.u32 $0xFFFFFFF0, v50  }
0x4c: {  	v3 =	vor.u32 v3, v4  }
0x4d: {  	v4 =	vperm.xlane v3, v0;
	_ =	sdelay $0x1  }
0x4e: {  	v3 =	vperm.xlane v3, v2;
	v4 =	vadd.s32 v1, v4;
	_ =	sdelay $0x1  }
0x4f: {  	v3 =	vadd.s32 v1, v3;
	_ =	sdelay $0x1  }
0x50: {  	s0 =	rddreg [dreg:$0xd]  }
0x51: {  	[tilespmem:s0], [sflag:$0x1] =	stream.indirect_vreg.gather [hbm4b:s2+s3], $0x80, v4, vm0, $0xb8;
	[tilespmem:$0x12180] =	vst v63  }
0x52: {  	s7 =	rddreg [dreg:$0xe]  }
0x53: {  	[tilespmem:s7], [sflag:$0x1] =	stream.indirect_vreg.gather [hbm4b:s2+s3], $0x80, v3, vm0, $0xb8;
	[tilespmem:$0x12180] =	vst v63  }
0x54: {  	v3 =	vld [tilespmem:$0x50];
	_ =	sdelay $0x4  }
0x55: {  	v51 =	vshll.u32 v3, $0x1  }
0x56: {  	v3 =	vand.u32 $0x7, v3;
	v4 =	vand.u32 $0xFFFFFFF0, v51  }
0x57: {  	v3 =	vor.u32 v3, v4  }
0x58: {  	v4 =	vperm.xlane v3, v0;
	_ =	sdelay $0x1  }
0x59: {  	v3 =	vperm.xlane v3, v2;
	v4 =	vadd.s32 v1, v4;
	_ =	sdelay $0x1  }
0x5a: {  	v3 =	vadd.s32 v1, v3;
	_ =	sdelay $0x1  }
0x5b: {  	s0 =	rddreg [dreg:$0xf]  }
0x5c: {  	[tilespmem:s0], [sflag:$0x1] =	stream.indirect_vreg.gather [hbm4b:s2+s3], $0x80, v4, vm0, $0xb8;
	[tilespmem:$0x12180] =	vst v63  }
0x5d: {  	s7 =	rddreg [dreg:$0x10]  }
0x5e: {  	[tilespmem:s7], [sflag:$0x1] =	stream.indirect_vreg.gather [hbm4b:s2+s3], $0x80, v3, vm0, $0xb8;
	[tilespmem:$0x12180] =	vst v63  }
0x5f: {  	v3 =	vld [tilespmem:$0x60];
	_ =	sdelay $0x4  }
0x60: {  	v52 =	vshll.u32 v3, $0x1  }
0x61: {  	v3 =	vand.u32 $0x7, v3;
	v4 =	vand.u32 $0xFFFFFFF0, v52  }
0x62: {  	v3 =	vor.u32 v3, v4  }
0x63: {  	v4 =	vperm.xlane v3, v0;
	_ =	sdelay $0x1  }
0x64: {  	v3 =	vperm.xlane v3, v2;
	v4 =	vadd.s32 v1, v4;
	_ =	sdelay $0x1  }
0x65: {  	v3 =	vadd.s32 v1, v3;
	_ =	sdelay $0x1  }
0x66: {  	s7 =	simm.s32 $0x6180  }
0x67: {  	[tilespmem:s7], [sflag:$0x1] =	stream.indirect_vreg.gather [hbm4b:s2+s3], $0x80, v4, vm0, $0xb8;
	[tilespmem:$0x12180] =	vst v63  }
0x68: {  	_ = 	snop  }
0x69: {  	[tilespmem:s8], [sflag:$0x1] =	stream.indirect_vreg.gather [hbm4b:s2+s3], $0x80, v3, vm0, $0xb8;
	[tilespmem:$0x12180] =	vst v63  }
0x6a: {  	v3 =	vld [tilespmem:$0x70];
	_ =	sdelay $0x4  }
0x6b: {  	v53 =	vshll.u32 v3, $0x1  }
0x6c: {  	v3 =	vand.u32 $0x7, v3;
	v4 =	vand.u32 $0xFFFFFFF0, v53  }
0x6d: {  	v3 =	vor.u32 v3, v4  }
0x6e: {  	v4 =	vperm.xlane v3, v0;
	_ =	sdelay $0x1  }
0x6f: {  	v3 =	vperm.xlane v3, v2;
	v4 =	vadd.s32 v1, v4;
	_ =	sdelay $0x1  }
0x70: {  	v3 =	vadd.s32 v1, v3;
	_ =	sdelay $0x2  }
0x71: {  	[tilespmem:s9], [sflag:$0x1] =	stream.indirect_vreg.gather [hbm4b:s2+s3], $0x80, v4, vm0, $0xb8;
	[tilespmem:$0x12180] =	vst v63  }
0x72: {  	_ = 	snop  }
0x73: {  	[tilespmem:s10], [sflag:$0x1] =	stream.indirect_vreg.gather [hbm4b:s2+s3], $0x80, v3, vm0, $0xb8;
	[tilespmem:$0x12180] =	vst v63  }
0x74: {  	v3 =	vld [tilespmem:$0x80];
	_ =	sdelay $0x4  }
0x75: {  	v54 =	vshll.u32 v3, $0x1  }
0x76: {  	v3 =	vand.u32 $0x7, v3;
	v4 =	vand.u32 $0xFFFFFFF0, v54  }
0x77: {  	v3 =	vor.u32 v3, v4  }
0x78: {  	v4 =	vperm.xlane v3, v0;
	_ =	sdelay $0x1  }
0x79: {  	v3 =	vperm.xlane v3, v2;
	v4 =	vadd.s32 v1, v4;
	_ =	sdelay $0x1  }
0x7a: {  	v3 =	vadd.s32 v1, v3;
	_ =	sdelay $0x2  }
0x7b: {  	[tilespmem:s11], [sflag:$0x1] =	stream.indirect_vreg.gather [hbm4b:s2+s3], $0x80, v4, vm0, $0xb8;
	[tilespmem:$0x12180] =	vst v63  }
0x7c: {  	_ = 	snop  }
0x7d: {  	[tilespmem:s12], [sflag:$0x1] =	stream.indirect_vreg.gather [hbm4b:s2+s3], $0x80, v3, vm0, $0xb8;
	[tilespmem:$0x12180] =	vst v63  }
0x7e: {  	v3 =	vld [tilespmem:$0x90];
	_ =	sdelay $0x4  }
0x7f: {  	v55 =	vshll.u32 v3, $0x1  }
0x80: {  	v3 =	vand.u32 $0x7, v3;
	v4 =	vand.u32 $0xFFFFFFF0, v55  }
0x81: {  	v3 =	vor.u32 v3, v4  }
0x82: {  	v4 =	vperm.xlane v3, v0;
	_ =	sdelay $0x1  }
0x83: {  	v3 =	vperm.xlane v3, v2;
	v4 =	vadd.s32 v1, v4;
	_ =	sdelay $0x1  }
0x84: {  	v3 =	vadd.s32 v1, v3;
	_ =	sdelay $0x2  }
0x85: {  	[tilespmem:s13], [sflag:$0x1] =	stream.indirect_vreg.gather [hbm4b:s2+s3], $0x80, v4, vm0, $0xb8;
	[tilespmem:$0x12180] =	vst v63  }
0x86: {  	_ = 	snop  }
0x87: {  	[tilespmem:s14], [sflag:$0x1] =	stream.indirect_vreg.gather [hbm4b:s2+s3], $0x80, v3, vm0, $0xb8;
	[tilespmem:$0x12180] =	vst v63  }
0x88: {  	v3 =	vld [tilespmem:$0xA0];
	_ =	sdelay $0x4  }
0x89: {  	v56 =	vshll.u32 v3, $0x1  }
0x8a: {  	v3 =	vand.u32 $0x7, v3;
	v4 =	vand.u32 $0xFFFFFFF0, v56  }
0x8b: {  	v3 =	vor.u32 v3, v4  }
0x8c: {  	v4 =	vperm.xlane v3, v0;
	_ =	sdelay $0x1  }
0x8d: {  	v3 =	vperm.xlane v3, v2;
	v4 =	vadd.s32 v1, v4;
	_ =	sdelay $0x1  }
0x8e: {  	v3 =	vadd.s32 v1, v3;
	_ =	sdelay $0x2  }
0x8f: {  	[tilespmem:s15], [sflag:$0x1] =	stream.indirect_vreg.gather [hbm4b:s2+s3], $0x80, v4, vm0, $0xb8;
	[tilespmem:$0x12180] =	vst v63  }
0x90: {  	_ = 	snop  }
0x91: {  	[tilespmem:s16], [sflag:$0x1] =	stream.indirect_vreg.gather [hbm4b:s2+s3], $0x80, v3, vm0, $0xb8;
	[tilespmem:$0x12180] =	vst v63  }
0x92: {  	v3 =	vld [tilespmem:$0xB0];
	_ =	sdelay $0x4  }
0x93: {  	v57 =	vshll.u32 v3, $0x1  }
0x94: {  	v3 =	vand.u32 $0x7, v3;
	v4 =	vand.u32 $0xFFFFFFF0, v57  }
0x95: {  	v3 =	vor.u32 v3, v4  }
0x96: {  	v4 =	vperm.xlane v3, v0;
	_ =	sdelay $0x1  }
0x97: {  	v3 =	vperm.xlane v3, v2;
	v4 =	vadd.s32 v1, v4;
	_ =	sdelay $0x1  }
0x98: {  	v3 =	vadd.s32 v1, v3;
	_ =	sdelay $0x2  }
0x99: {  	[tilespmem:s17], [sflag:$0x1] =	stream.indirect_vreg.gather [hbm4b:s2+s3], $0x80, v4, vm0, $0xb8;
	[tilespmem:$0x12180] =	vst v63  }
0x9a: {  	_ = 	snop  }
0x9b: {  	[tilespmem:s18], [sflag:$0x1] =	stream.indirect_vreg.gather [hbm4b:s2+s3], $0x80, v3, vm0, $0xb8;
	[tilespmem:$0x12180] =	vst v63  }
0x9c: {  	v3 =	vld [tilespmem:$0xC0];
	_ =	sdelay $0x4  }
0x9d: {  	v58 =	vshll.u32 v3, $0x1  }
0x9e: {  	v3 =	vand.u32 $0x7, v3;
	v4 =	vand.u32 $0xFFFFFFF0, v58  }
0x9f: {  	v3 =	vor.u32 v3, v4  }
0xa0: {  	v4 =	vperm.xlane v3, v0;
	_ =	sdelay $0x1  }
0xa1: {  	v3 =	vperm.xlane v3, v2;
	v4 =	vadd.s32 v1, v4;
	_ =	sdelay $0x1  }
0xa2: {  	v3 =	vadd.s32 v1, v3;
	_ =	sdelay $0x2  }
0xa3: {  	[tilespmem:s19], [sflag:$0x1] =	stream.indirect_vreg.gather [hbm4b:s2+s3], $0x80, v4, vm0, $0xb8;
	[tilespmem:$0x12180] =	vst v63  }
0xa4: {  	_ = 	snop  }
0xa5: {  	[tilespmem:s20], [sflag:$0x1] =	stream.indirect_vreg.gather [hbm4b:s2+s3], $0x80, v3, vm0, $0xb8;
	[tilespmem:$0x12180] =	vst v63  }
0xa6: {  	v3 =	vld [tilespmem:$0xD0];
	_ =	sdelay $0x4  }
0xa7: {  	v59 =	vshll.u32 v3, $0x1  }
0xa8: {  	v3 =	vand.u32 $0x7, v3;
	v4 =	vand.u32 $0xFFFFFFF0, v59  }
0xa9: {  	v3 =	vor.u32 v3, v4  }
0xaa: {  	v4 =	vperm.xlane v3, v0;
	_ =	sdelay $0x1  }
0xab: {  	v3 =	vperm.xlane v3, v2;
	v4 =	vadd.s32 v1, v4;
	_ =	sdelay $0x1  }
0xac: {  	v3 =	vadd.s32 v1, v3;
	_ =	sdelay $0x2  }
0xad: {  	[tilespmem:s21], [sflag:$0x1] =	stream.indirect_vreg.gather [hbm4b:s2+s3], $0x80, v4, vm0, $0xb8;
	[tilespmem:$0x12180] =	vst v63  }
0xae: {  	_ = 	snop  }
0xaf: {  	[tilespmem:s22], [sflag:$0x1] =	stream.indirect_vreg.gather [hbm4b:s2+s3], $0x80, v3, vm0, $0xb8;
	[tilespmem:$0x12180] =	vst v63  }
0xb0: {  	v3 =	vld [tilespmem:$0xE0];
	_ =	sdelay $0x4  }
0xb1: {  	v60 =	vshll.u32 v3, $0x1  }
0xb2: {  	v3 =	vand.u32 $0x7, v3;
	v4 =	vand.u32 $0xFFFFFFF0, v60  }
0xb3: {  	v3 =	vor.u32 v3, v4  }
0xb4: {  	v4 =	vperm.xlane v3, v0;
	_ =	sdelay $0x1  }
0xb5: {  	v3 =	vperm.xlane v3, v2;
	v4 =	vadd.s32 v1, v4;
	_ =	sdelay $0x1  }
0xb6: {  	v3 =	vadd.s32 v1, v3;
	_ =	sdelay $0x2  }
0xb7: {  	[tilespmem:s23], [sflag:$0x1] =	stream.indirect_vreg.gather [hbm4b:s2+s3], $0x80, v4, vm0, $0xb8;
	[tilespmem:$0x12180] =	vst v63  }
0xb8: {  	_ = 	snop  }
0xb9: {  	[tilespmem:s24], [sflag:$0x1] =	stream.indirect_vreg.gather [hbm4b:s2+s3], $0x80, v3, vm0, $0xb8;
	[tilespmem:$0x12180] =	vst v63  }
0xba: {  	v3 =	vld [tilespmem:$0xF0];
	_ =	sdelay $0x4  }
0xbb: {  	v61 =	vshll.u32 v3, $0x1  }
0xbc: {  	v3 =	vand.u32 $0x7, v3;
	v4 =	vand.u32 $0xFFFFFFF0, v61  }
0xbd: {  	v3 =	vor.u32 v3, v4  }
0xbe: {  	v4 =	vperm.xlane v3, v0;
	_ =	sdelay $0x1  }
0xbf: {  	v3 =	vperm.xlane v3, v2;
	v4 =	vadd.s32 v1, v4;
	_ =	sdelay $0x1  }
0xc0: {  	v3 =	vadd.s32 v1, v3;
	_ =	sdelay $0x2  }
0xc1: {  	[tilespmem:s25], [sflag:$0x1] =	stream.indirect_vreg.gather [hbm4b:s2+s3], $0x80, v4, vm0, $0xb8;
	[tilespmem:$0x12180] =	vst v63  }
0xc2: {  	_ = 	snop  }
0xc3: {  	[tilespmem:s26], [sflag:$0x1] =	stream.indirect_vreg.gather [hbm4b:s2+s3], $0x80, v3, vm0, $0xb8;
	[tilespmem:$0x12180] =	vst v63  }
0xc4: {  	v3 =	vld [tilespmem:$0x100];
	_ =	sdelay $0x4  }
0xc5: {  	v62 =	vshll.u32 v3, $0x1  }
0xc6: {  	v3 =	vand.u32 $0x7, v3;
	v4 =	vand.u32 $0xFFFFFFF0, v62  }
0xc7: {  	v3 =	vor.u32 v3, v4  }
0xc8: {  	v4 =	vperm.xlane v3, v0;
	_ =	sdelay $0x1  }
0xc9: {  	v3 =	vperm.xlane v3, v2;
	v4 =	vadd.s32 v1, v4;
	_ =	sdelay $0x1  }
0xca: {  	v3 =	vadd.s32 v1, v3;
	_ =	sdelay $0x2  }
0xcb: {  	[tilespmem:s28], [sflag:$0x1] =	stream.indirect_vreg.gather [hbm4b:s2+s3], $0x80, v4, vm0, $0xb8;
	[tilespmem:$0x12180] =	vst v63  }
0xcc: {  	_ = 	snop  }
0xcd: {  	[tilespmem:s29], [sflag:$0x1] =	stream.indirect_vreg.gather [hbm4b:s2+s3], $0x80, v3, vm0, $0xb8;
	[tilespmem:$0x12180] =	vst v63  }
0xce: {  	v3 =	vld [tilespmem:$0x110];
	_ =	sdelay $0x4  }
0xcf: {  	v63 =	vshll.u32 v3, $0x1  }
0xd0: {  	v3 =	vand.u32 $0x7, v3;
	v4 =	vand.u32 $0xFFFFFFF0, v63  }
0xd1: {  	v3 =	vor.u32 v3, v4  }
0xd2: {  	v4 =	vperm.xlane v3, v0;
	_ =	sdelay $0x1  }
0xd3: {  	v3 =	vperm.xlane v3, v2;
	v4 =	vadd.s32 v1, v4;
	_ =	sdelay $0x1  }
0xd4: {  	v3 =	vadd.s32 v1, v3;
	_ =	sdelay $0x2  }
0xd5: {  	[tilespmem:s30], [sflag:$0x1] =	stream.indirect_vreg.gather [hbm4b:s2+s3], $0x80, v4, vm0, $0xb8;
	[tilespmem:$0x12180] =	vst v63  }
0xd6: {  	_ = 	snop  }
0xd7: {  	[tilespmem:s31], [sflag:$0x1] =	stream.indirect_vreg.gather [hbm4b:s2+s3], $0x80, v3, vm0, $0xb8;
	[tilespmem:$0x12180] =	vst v63  }
0xd8: {  	_ =	swait.ge [sflag:s1], $0x6000  }
0xd9: {  	[sflag:s1] =	ssyncset.done $0x0  }
0xda: {  	[sflag:s1] =	ssyncadd.s32 $0xFFFFA000  }
0xdb: {  	_ =	swait.ge [sflag:s1], $0x6000  }
0xdc: {  	[sflag:s1] =	ssyncset.done $0x0  }
0xdd: {  	[sflag:s1] =	ssyncadd.s32 $0xFFFFA000  }
0xde: {  	_ =	swait.ge [sflag:s1], $0x6000  }
0xdf: {  	p0 =	sne.s32 s4, $0x1;
	[sflag:s1] =	ssyncset.done $0x0  }
.Ltmp0:
0xe0: {  	s7 =	rddreg [dreg:$0x5];
	[sflag:s1] =	ssyncadd.s32 $0xFFFFA000;
	(pc) =	sbr.rel @p0 .LBB2_1-.Ltmp0, $4  }
0xe1: {  	[hbm4b:s7+s3] =	stream.linear.scatter [tilespmem:s6], [sflag:$0x2], $0x12000, $0x38;
	[tilespmem:$0x12180] =	vst v63  }
0xe2: {  	_ =	swait.ge [sflag:s5], $0x12000  }
0xe3: {  	[sflag:s5] =	ssyncset.done $0x0  }
0xe4: {  	s4 =	sadd.s32 $0xFFFFFFFF, s4;
	[sflag:s5] =	ssyncadd.s32 $0xFFFEE000  }
0xe5: {  	_ =	sfence.sel $0x180000  }
0xe6: {  	[bflag:$0x0] =	sbarrier.arrive $0xFFFF  }
0xe7: {  	_ =	strace $0x90000047  }
0xe8: {  	s0 =	stileid.u32;
	[bflag:$0x2] =	sbarrier.arrive $0xFFFF  }
0xe9: {  	p0 =	sne.s32 s0, $0x0;
	s0 =	rddreg [dreg:$0x3]  }
0xea: {  	s0 =	sadd.s32 @!p0 $0x100000, s0  }
0xeb: {  	[sflag:s0] =	ssyncadd.tile.s32 @!p0 $0x1;
	_ =	shalt  }
.Lfunc_end2:
_tile_overlayer_lowered:
.L_overlay_start_2:
0xec: {  	(tag) =	ssettag $0x2  }
0xed: {  	s0 =	rddreg [dreg:$0x0];
	s2 =	stileid.u32  }
0xee: {  	s1 =	rddreg [dreg:$0x1];
	p0 =	sne.s32 s2, $0x0  }
0xef: {  	s3 =	rddreg [dreg:$0x2];
	[bflag:$0x3] =	sbarrier.arrive $0xFFFF;
	s2 =	simm.s32 @!p0 $0x1C02  }
0xf0: {  	[timem:s3], [sflag:s2] =	dma.local @!p0 [hbm:s0], s1  }
0xf1: {  	s0 =	simm.s32 @!p0 $0x2  }
0xf2: {  	_ =	swait.ge @!p0 [sflag:s0], s1  }
0xf3: {  	s1 =	ssub.s32 @!p0 $0x0, s1;
	[sflag:s0] =	ssyncset.done @!p0 $0x0  }
0xf4: {  	[sflag:s0] =	ssyncadd.s32 @!p0 s1  }
0xf5: {  	[bflag:$0x3] =	sbarrier.arrive $0xFFFF  }
0xf6: {  	_ =	shalt  }

</sc_bundles>
